<compile_context>
chip_gen: v7x
topology: tpu7x:2x2x1
jax: 0.10.2.dev20260603
libtpu: 0.0.44.dev20260713+nightly
codegen_flags: <defaults>
</compile_context>

<pallas_src>
import functools

import jax
import jax.numpy as jnp
from jax import lax
from jax.experimental import pallas as pl
from jax.experimental.pallas import tpu as pltpu
from jax.experimental.pallas import tpu_sc as plsc

TOPK = 8
G = 128
NEG_INF = float("-inf")

SC_CORES = 2
SC_SUBCORES = 16
SC_WORKERS = SC_CORES * SC_SUBCORES


def _normalize(x):
    n = jnp.linalg.norm(x, axis=-1, keepdims=True)
    return x / jnp.clip(n, 1e-12, None)


def _sims_body(qn_ref, kn_ref, sims_ref, cidx_ref, cflat_ref,
               runv_ref, runi_ref, buf_ref, *, qb, kb, ng, buf_steps):
    ik = pl.program_id(1)
    nk = pl.num_programs(1)
    ngb = kb // G
    s = lax.dot_general(
        qn_ref[...], kn_ref[...], (((1,), (1,)), ((), ())),
        preferred_element_type=jnp.float32,
    )
    for g in range(ngb):
        sims_ref[:, g, :] = s[:, g * G:(g + 1) * G]

    new_v = jnp.concatenate(
        [jnp.max(s[:, g * G:(g + 1) * G], axis=1, keepdims=True)
         for g in range(ngb)], axis=1)
    buf_ref[ik % buf_steps] = new_v

    @pl.when(ik == 0)
    def _():
        runv_ref[...] = jnp.full((qb, TOPK), NEG_INF, jnp.float32)
        runi_ref[...] = jnp.zeros((qb, TOPK), jnp.int32)

    @pl.when(ik % buf_steps == buf_steps - 1)
    def _():
        wide_n = buf_steps * ngb
        wide = jnp.concatenate(
            [buf_ref[t] for t in range(buf_steps)], axis=1)
        base = (ik // buf_steps) * wide_n
        wide_ids = base + lax.broadcasted_iota(jnp.int32, (qb, wide_n), 1)
        cat_v = jnp.concatenate([runv_ref[...], wide], axis=1)
        cat_i = jnp.concatenate([runi_ref[...], wide_ids], axis=1)
        big = jnp.int32(2**31 - 1)
        for j in range(TOPK):
            m = jnp.max(cat_v, axis=1, keepdims=True)
            is_m = cat_v == m
            gid = jnp.min(jnp.where(is_m, cat_i, big), axis=1, keepdims=True)
            runv_ref[:, j:j + 1] = m
            runi_ref[:, j:j + 1] = gid
            cat_v = jnp.where(is_m & (cat_i == gid), NEG_INF, cat_v)

    @pl.when(ik == nk - 1)
    def _():
        iq = pl.program_id(0)
        row = lax.broadcasted_iota(jnp.int32, (qb, TOPK), 0)
        runi = runi_ref[...]
        cidx_ref[...] = runi
        cflat_ref[...] = (iq * qb + row) * ng + runi


def _sims_topgroups(qn, kn, qb, kb):
    q, d = qn.shape
    k, _ = kn.shape
    ng = k // G
    grid = (q // qb, k // kb)
    nk = k // kb
    ngb = kb // G
    buf_steps = min(nk, max(1, 128 // ngb))
    assert nk % buf_steps == 0
    body = functools.partial(_sims_body, qb=qb, kb=kb, ng=ng,
                             buf_steps=buf_steps)
    return pl.pallas_call(
        body,
        grid=grid,
        in_specs=[
            pl.BlockSpec((qb, d), lambda iq, ik: (iq, 0)),
            pl.BlockSpec((kb, d), lambda iq, ik: (ik, 0)),
        ],
        out_specs=[
            pl.BlockSpec((qb, kb // G, G), lambda iq, ik: (iq, ik, 0)),
            pl.BlockSpec((qb, TOPK), lambda iq, ik: (iq, 0)),
            pl.BlockSpec((qb, TOPK), lambda iq, ik: (iq, 0)),
        ],
        out_shape=[
            jax.ShapeDtypeStruct((q, ng, G), jnp.float32),
            jax.ShapeDtypeStruct((q, TOPK), jnp.int32),
            jax.ShapeDtypeStruct((q, TOPK), jnp.int32),
        ],
        scratch_shapes=[pltpu.VMEM((qb, TOPK), jnp.float32),
                        pltpu.VMEM((qb, TOPK), jnp.int32),
                        pltpu.VMEM((buf_steps, qb, ngb), jnp.float32)],
        compiler_params=pltpu.CompilerParams(
            dimension_semantics=("arbitrary", "arbitrary")),
    )(qn, kn)


def _sc_gather(table, idx):
    v, d = table.shape
    (b,) = idx.shape
    assert b % (8 * SC_WORKERS) == 0
    b_per_w = b // SC_WORKERS
    chunk = min(512, b_per_w)
    n_chunks = b_per_w // chunk
    mesh = plsc.VectorSubcoreMesh(core_axis_name="c", subcore_axis_name="s")

    @functools.partial(
        pl.kernel,
        mesh=mesh,
        out_type=jax.ShapeDtypeStruct((b, d), table.dtype),
        scratch_types=[
            pltpu.VMEM((chunk,), jnp.int32),
            pltpu.VMEM((chunk, d), table.dtype),
            pltpu.SemaphoreType.DMA,
        ],
    )
    def k(table_hbm, idx_hbm, out_hbm, idx_v, rows_v, sem):
        wid = lax.axis_index("s") * SC_CORES + lax.axis_index("c")

        @pl.loop(0, n_chunks)
        def _(ci):
            base = wid * b_per_w + ci * chunk
            pltpu.sync_copy(idx_hbm.at[pl.ds(base, chunk)], idx_v)
            pltpu.async_copy(table_hbm.at[idx_v], rows_v, sem).wait()
            pltpu.sync_copy(rows_v, out_hbm.at[pl.ds(base, chunk)])

    return k(table, idx)


def _select_body(*refs, qb):
    cand_refs = refs[:TOPK]
    cidx_ref, topi_ref, wts_ref, conf_ref = refs[TOPK:TOPK + 4]
    ncand = TOPK * G
    lane = lax.broadcasted_iota(jnp.int32, (qb, ncand), 1)
    off = lax.broadcasted_iota(jnp.int32, (qb, G), 1)
    gii = jnp.concatenate(
        [cidx_ref[:, j:j + 1] * G + off for j in range(TOPK)], axis=1)
    w = jnp.concatenate([cand_refs[j][...] for j in range(TOPK)], axis=1)
    topv_cols, topi_cols = [], []
    big = jnp.int32(2**31 - 1)
    for j in range(TOPK):
        m = jnp.max(w, axis=1, keepdims=True)
        p = jnp.min(jnp.where(w == m, lane, ncand), axis=1, keepdims=True)
        hit = lane == p
        gk = jnp.min(jnp.where(hit, gii, big), axis=1, keepdims=True)
        topv_cols.append(m)
        topi_cols.append(gk)
        w = jnp.where(hit, NEG_INF, w)
    topv = jnp.concatenate(topv_cols, axis=1)
    topi_ref[...] = jnp.concatenate(topi_cols, axis=1)
    mx = jnp.max(topv, axis=1, keepdims=True)
    e = jnp.exp(topv - mx)
    wts_ref[...] = e / jnp.sum(e, axis=1, keepdims=True)
    conf_ref[...] = jnp.clip(jnp.mean(topv, axis=1, keepdims=True), 0.0, 1.0)


def _select(cand, cidx, qb):
    q = cidx.shape[0]
    nb = q // qb
    body = functools.partial(_select_body, qb=qb)
    in_specs = [
        pl.BlockSpec((qb, G), lambda i, j=j: (j * nb + i, 0))
        for j in range(TOPK)
    ]
    in_specs.append(pl.BlockSpec((qb, TOPK), lambda i: (i, 0)))
    return pl.pallas_call(
        body,
        grid=(nb,),
        in_specs=in_specs,
        out_specs=[
            pl.BlockSpec((qb, TOPK), lambda i: (i, 0)),
            pl.BlockSpec((qb, TOPK), lambda i: (i, 0)),
            pl.BlockSpec((qb, 1), lambda i: (i, 0)),
        ],
        out_shape=[
            jax.ShapeDtypeStruct((q, TOPK), jnp.int32),
            jax.ShapeDtypeStruct((q, TOPK), jnp.float32),
            jax.ShapeDtypeStruct((q, 1), jnp.float32),
        ],
        compiler_params=pltpu.CompilerParams(
            dimension_semantics=("parallel",)),
    )(*([cand] * TOPK), cidx)


def _combine_body(*refs):
    gv_refs = refs[:TOPK]
    w_ref, o_ref = refs[TOPK], refs[TOPK + 1]
    w = w_ref[...]
    acc = gv_refs[0][...] * w[:, 0:1]
    for j in range(1, TOPK):
        acc = acc + gv_refs[j][...] * w[:, j:j + 1]
    o_ref[...] = acc


def _combine(gv, wts, qb):
    q, _ = wts.shape
    d = gv.shape[1]
    nb = q // qb
    in_specs = [
        pl.BlockSpec((qb, d), lambda i, j=j: (j * nb + i, 0))
        for j in range(TOPK)
    ]
    in_specs.append(pl.BlockSpec((qb, TOPK), lambda i: (i, 0)))
    return pl.pallas_call(
        _combine_body,
        grid=(nb,),
        in_specs=in_specs,
        out_specs=pl.BlockSpec((qb, d), lambda i: (i, 0)),
        out_shape=jax.ShapeDtypeStruct((q, d), jnp.float32),
        compiler_params=pltpu.CompilerParams(
            dimension_semantics=("parallel",)),
    )(*([gv] * TOPK), wts)


def kernel(q, keys, vals):
    qb = min(1024, q.shape[0])
    kb = 2048

    qq, d = q.shape
    k = keys.shape[0]
    ng = k // G

    qn = _normalize(q).astype(jnp.bfloat16)
    kn = _normalize(keys).astype(jnp.bfloat16)
    sims, cidx, cflat = _sims_topgroups(qn, kn, qb, kb)
    cand = _sc_gather(sims.reshape(qq * ng, G), cflat.T.reshape(-1))
    topi, wts, conf = _select(cand, cidx, qb)
    gv = _sc_gather(vals, topi.T.reshape(-1))
    pred = _combine(gv, wts, qb)
    return (pred, conf[:, 0])

# --- scband reference (transcript-rebuilt; emitter-appended) ---
"""Pipeline reference for scband-memory-cube-15487652069438 (READ-ONLY COPY).

The authoritative reference and input builder live on the scoring server;
editing this copy changes nothing except your own understanding.
"""

import jax, jax.numpy as jnp
import numpy as np

Q = 4096
K = 65536
D_KEY = 128
D_VAL = 128
TOPK = 8


def setup_inputs(seed: int = 0) -> dict:
    key = jax.random.key(seed)
    k1, k2, k3 = jax.random.split(key, 3)
    q = jax.random.normal(k1, (Q, D_KEY), dtype=jnp.float32)
    keys = jax.random.normal(k2, (K, D_KEY), dtype=jnp.float32)
    vals = jax.random.normal(k3, (K, D_VAL), dtype=jnp.float32)
    return {"q": q, "keys": keys, "vals": vals}


def _l2_normalize(x, eps=1e-12):
    # matches torch.nn.functional.normalize(x, dim=-1)
    n = jnp.linalg.norm(x, axis=-1, keepdims=True)
    return x / jnp.clip(n, eps, None)


def reference(q, keys, vals):
    kn = _l2_normalize(keys)
    qn = _l2_normalize(q)
    sims = qn @ kn.T  # [Q, K]
    k_eff = min(TOPK, sims.shape[1])
    topv, topi = jax.lax.top_k(sims, k_eff)  # [Q, k], [Q, k]
    weights = jax.nn.softmax(topv, axis=-1)  # [Q, k]
    gathered = jnp.take(vals, topi.reshape(-1), axis=0).reshape(q.shape[0], k_eff, vals.shape[-1])  # [Q, k, d_val]
    pred = jnp.einsum('qb,qbd->qd', weights, gathered)  # [Q, d_val]
    conf = jnp.clip(jnp.mean(topv, axis=-1), 0.0, 1.0)  # [Q]
    return (pred, conf)

if __name__ == "__main__":
    import jax
    _d = setup_inputs()
    print(jax.jit(kernel)(*tuple(_d.values())))

</pallas_src>

<mosaic_0001>
#map = affine_map<(d0, d1) -> (0, 0)>
#map1 = affine_map<(d0, d1) -> (0)>
module attributes {stable_mosaic.version = 14 : i64} {
  func.func @k(%arg0: i32, %arg1: i32, %arg2: memref<2097152x128xf32, #tpu.memory_space<hbm>>, %arg3: memref<32768xi32, #tpu.memory_space<hbm>>, %arg4: memref<32768x128xf32, #tpu.memory_space<hbm>>, %arg5: memref<512xi32, #tpu.memory_space<vmem>>, %arg6: memref<512x128xf32, #tpu.memory_space<vmem>>, %arg7: memref<!tpu.dma_semaphore, #tpu.memory_space<semaphore_mem>>) attributes {dimension_semantics = [#tpu.dimension_semantics<core_parallel>, #tpu.dimension_semantics<subcore_parallel>], iteration_bounds = array<i64: 2, 16>, scalar_prefetch = 0 : i64, scratch_operands = 3 : i64, tpu.core_type = #tpu.core_type<sc_vector_subcore>, window_params = [{transform_indices = #map}, {transform_indices = #map1}, {transform_indices = #map}]} {
    %mul3A = arith.constant 2 : i32
    %mul3A_0 = arith.muli %arg1, %mul3A : i32
    %add3A = arith.addi %mul3A_0, %arg0 : i32
    %scan3A = arith.constant 0 : i32
    %scan3A_1 = arith.constant 2 : i32
    %scan3A_2 = arith.addi %scan3A, %scan3A_1 : i32
    %scan3A_3 = arith.constant 1 : i32
    scf.for %scan3A_5 = %scan3A to %scan3A_2 step %scan3A_3  : i32 {
      %mul3A_6 = arith.constant 1 : i32
      %mul3A_7 = arith.muli %scan3A_5, %mul3A_6 : i32
      %add3A_8 = arith.constant 0 : i32
      %add3A_9 = arith.addi %add3A_8, %mul3A_7 : i32
      %mul3A_10 = arith.constant 1024 : i32
      %mul3A_11 = arith.muli %add3A, %mul3A_10 : i32
      %mul3A_12 = arith.constant 512 : i32
      %mul3A_13 = arith.muli %add3A_9, %mul3A_12 : i32
      %add3A_14 = arith.addi %mul3A_11, %mul3A_13 : i32
      "tpu.region"() ({
        %run_scoped3A = tpu.sem_alloc : memref<!tpu.dma_semaphore, #tpu.memory_space<semaphore_mem>>
        %dma_start3A_19 = tpu.memref_slice %arg3[%add3A_14] : memref<32768xi32, #tpu.memory_space<hbm>> -> memref<512xi32, #tpu.memory_space<hbm>>
        %dma_start3A_20 = tpu.memref_slice %arg3[%add3A_14] : memref<32768xi32, #tpu.memory_space<hbm>> -> memref<512xi32, #tpu.memory_space<hbm>>
        tpu.enqueue_dma source(%dma_start3A_20 : memref<512xi32, #tpu.memory_space<hbm>>) target(%arg5 : memref<512xi32, #tpu.memory_space<vmem>>) target_semaphore(%run_scoped3A : memref<!tpu.dma_semaphore, #tpu.memory_space<semaphore_mem>>)
        %dma_wait3A_21 = tpu.memref_slice %arg3[%add3A_14] : memref<32768xi32, #tpu.memory_space<hbm>> -> memref<512xi32, #tpu.memory_space<hbm>>
        %dma_wait3A_22 = tpu.memref_slice %arg3[%add3A_14] : memref<32768xi32, #tpu.memory_space<hbm>> -> memref<512xi32, #tpu.memory_space<hbm>>
        tpu.wait_dma2 semaphore(%run_scoped3A : memref<!tpu.dma_semaphore, #tpu.memory_space<semaphore_mem>>) src(%dma_wait3A_22 : memref<512xi32, #tpu.memory_space<hbm>>) dst(%arg5 : memref<512xi32, #tpu.memory_space<vmem>>)
        tpu.yield
      }) : () -> ()
      %dma_start3A = arith.constant 0 : i32
      %dma_start3A_15 = arith.constant 0 : i32
      %dma_start3A_16 = tpu.memref_slice %arg2[%dma_start3A, %dma_start3A_15] : memref<2097152x128xf32, #tpu.memory_space<hbm>> -> memref<2097152x128xf32, #tpu.memory_space<hbm>>
      tpu.enqueue_indirect_dma source(%dma_start3A_16 : memref<2097152x128xf32, #tpu.memory_space<hbm>>) target(%arg6 : memref<512x128xf32, #tpu.memory_space<vmem>>) offsets(%arg5 : memref<512xi32, #tpu.memory_space<vmem>>) semaphore(%arg7 : memref<!tpu.dma_semaphore, #tpu.memory_space<semaphore_mem>>)
      %dma_wait3A = arith.constant 0 : i32
      %dma_wait3A_17 = arith.constant 0 : i32
      %dma_wait3A_18 = tpu.memref_slice %arg2[%dma_wait3A, %dma_wait3A_17] : memref<2097152x128xf32, #tpu.memory_space<hbm>> -> memref<2097152x128xf32, #tpu.memory_space<hbm>>
      tpu.wait_indirect_dma semaphore(%arg7 : memref<!tpu.dma_semaphore, #tpu.memory_space<semaphore_mem>>) src(%dma_wait3A_18 : memref<2097152x128xf32, #tpu.memory_space<hbm>>) dst(%arg6 : memref<512x128xf32, #tpu.memory_space<vmem>>)
      "tpu.region"() ({
        %run_scoped3A = tpu.sem_alloc : memref<!tpu.dma_semaphore, #tpu.memory_space<semaphore_mem>>
        %dma_start3A_19 = arith.constant 0 : i32
        %dma_start3A_20 = tpu.memref_slice %arg4[%add3A_14, %dma_start3A_19] : memref<32768x128xf32, #tpu.memory_space<hbm>> -> memref<512x128xf32, #tpu.memory_space<hbm>>
        %dma_start3A_21 = arith.constant 0 : i32
        %dma_start3A_22 = tpu.memref_slice %arg4[%add3A_14, %dma_start3A_21] : memref<32768x128xf32, #tpu.memory_space<hbm>> -> memref<512x128xf32, #tpu.memory_space<hbm>>
        tpu.enqueue_dma source(%arg6 : memref<512x128xf32, #tpu.memory_space<vmem>>) target(%dma_start3A_22 : memref<512x128xf32, #tpu.memory_space<hbm>>) target_semaphore(%run_scoped3A : memref<!tpu.dma_semaphore, #tpu.memory_space<semaphore_mem>>)
        %dma_wait3A_23 = arith.constant 0 : i32
        %dma_wait3A_24 = tpu.memref_slice %arg4[%add3A_14, %dma_wait3A_23] : memref<32768x128xf32, #tpu.memory_space<hbm>> -> memref<512x128xf32, #tpu.memory_space<hbm>>
        %dma_wait3A_25 = arith.constant 0 : i32
        %dma_wait3A_26 = tpu.memref_slice %arg4[%add3A_14, %dma_wait3A_25] : memref<32768x128xf32, #tpu.memory_space<hbm>> -> memref<512x128xf32, #tpu.memory_space<hbm>>
        tpu.wait_dma2 semaphore(%run_scoped3A : memref<!tpu.dma_semaphore, #tpu.memory_space<semaphore_mem>>) src(%arg6 : memref<512x128xf32, #tpu.memory_space<vmem>>) dst(%dma_wait3A_26 : memref<512x128xf32, #tpu.memory_space<hbm>>)
        tpu.yield
      }) : () -> ()
    }
    %scan3A_4 = arith.constant 2 : i32
    return
  }
}

#map = affine_map<(d0, d1) -> (0, 0)>
#map1 = affine_map<(d0, d1) -> (0)>
module attributes {stable_mosaic.version = 14 : i64} {
  func.func @k(%arg0: i32, %arg1: i32, %arg2: memref<65536x128xf32, #tpu.memory_space<hbm>>, %arg3: memref<32768xi32, #tpu.memory_space<hbm>>, %arg4: memref<32768x128xf32, #tpu.memory_space<hbm>>, %arg5: memref<512xi32, #tpu.memory_space<vmem>>, %arg6: memref<512x128xf32, #tpu.memory_space<vmem>>, %arg7: memref<!tpu.dma_semaphore, #tpu.memory_space<semaphore_mem>>) attributes {dimension_semantics = [#tpu.dimension_semantics<core_parallel>, #tpu.dimension_semantics<subcore_parallel>], iteration_bounds = array<i64: 2, 16>, scalar_prefetch = 0 : i64, scratch_operands = 3 : i64, tpu.core_type = #tpu.core_type<sc_vector_subcore>, window_params = [{transform_indices = #map}, {transform_indices = #map1}, {transform_indices = #map}]} {
    %mul3A = arith.constant 2 : i32
    %mul3A_0 = arith.muli %arg1, %mul3A : i32
    %add3A = arith.addi %mul3A_0, %arg0 : i32
    %scan3A = arith.constant 0 : i32
    %scan3A_1 = arith.constant 2 : i32
    %scan3A_2 = arith.addi %scan3A, %scan3A_1 : i32
    %scan3A_3 = arith.constant 1 : i32
    scf.for %scan3A_5 = %scan3A to %scan3A_2 step %scan3A_3  : i32 {
      %mul3A_6 = arith.constant 1 : i32
      %mul3A_7 = arith.muli %scan3A_5, %mul3A_6 : i32
      %add3A_8 = arith.constant 0 : i32
      %add3A_9 = arith.addi %add3A_8, %mul3A_7 : i32
      %mul3A_10 = arith.constant 1024 : i32
      %mul3A_11 = arith.muli %add3A, %mul3A_10 : i32
      %mul3A_12 = arith.constant 512 : i32
      %mul3A_13 = arith.muli %add3A_9, %mul3A_12 : i32
      %add3A_14 = arith.addi %mul3A_11, %mul3A_13 : i32
      "tpu.region"() ({
        %run_scoped3A = tpu.sem_alloc : memref<!tpu.dma_semaphore, #tpu.memory_space<semaphore_mem>>
        %dma_start3A_19 = tpu.memref_slice %arg3[%add3A_14] : memref<32768xi32, #tpu.memory_space<hbm>> -> memref<512xi32, #tpu.memory_space<hbm>>
        %dma_start3A_20 = tpu.memref_slice %arg3[%add3A_14] : memref<32768xi32, #tpu.memory_space<hbm>> -> memref<512xi32, #tpu.memory_space<hbm>>
        tpu.enqueue_dma source(%dma_start3A_20 : memref<512xi32, #tpu.memory_space<hbm>>) target(%arg5 : memref<512xi32, #tpu.memory_space<vmem>>) target_semaphore(%run_scoped3A : memref<!tpu.dma_semaphore, #tpu.memory_space<semaphore_mem>>)
        %dma_wait3A_21 = tpu.memref_slice %arg3[%add3A_14] : memref<32768xi32, #tpu.memory_space<hbm>> -> memref<512xi32, #tpu.memory_space<hbm>>
        %dma_wait3A_22 = tpu.memref_slice %arg3[%add3A_14] : memref<32768xi32, #tpu.memory_space<hbm>> -> memref<512xi32, #tpu.memory_space<hbm>>
        tpu.wait_dma2 semaphore(%run_scoped3A : memref<!tpu.dma_semaphore, #tpu.memory_space<semaphore_mem>>) src(%dma_wait3A_22 : memref<512xi32, #tpu.memory_space<hbm>>) dst(%arg5 : memref<512xi32, #tpu.memory_space<vmem>>)
        tpu.yield
      }) : () -> ()
      %dma_start3A = arith.constant 0 : i32
      %dma_start3A_15 = arith.constant 0 : i32
      %dma_start3A_16 = tpu.memref_slice %arg2[%dma_start3A, %dma_start3A_15] : memref<65536x128xf32, #tpu.memory_space<hbm>> -> memref<65536x128xf32, #tpu.memory_space<hbm>>
      tpu.enqueue_indirect_dma source(%dma_start3A_16 : memref<65536x128xf32, #tpu.memory_space<hbm>>) target(%arg6 : memref<512x128xf32, #tpu.memory_space<vmem>>) offsets(%arg5 : memref<512xi32, #tpu.memory_space<vmem>>) semaphore(%arg7 : memref<!tpu.dma_semaphore, #tpu.memory_space<semaphore_mem>>)
      %dma_wait3A = arith.constant 0 : i32
      %dma_wait3A_17 = arith.constant 0 : i32
      %dma_wait3A_18 = tpu.memref_slice %arg2[%dma_wait3A, %dma_wait3A_17] : memref<65536x128xf32, #tpu.memory_space<hbm>> -> memref<65536x128xf32, #tpu.memory_space<hbm>>
      tpu.wait_indirect_dma semaphore(%arg7 : memref<!tpu.dma_semaphore, #tpu.memory_space<semaphore_mem>>) src(%dma_wait3A_18 : memref<65536x128xf32, #tpu.memory_space<hbm>>) dst(%arg6 : memref<512x128xf32, #tpu.memory_space<vmem>>)
      "tpu.region"() ({
        %run_scoped3A = tpu.sem_alloc : memref<!tpu.dma_semaphore, #tpu.memory_space<semaphore_mem>>
        %dma_start3A_19 = arith.constant 0 : i32
        %dma_start3A_20 = tpu.memref_slice %arg4[%add3A_14, %dma_start3A_19] : memref<32768x128xf32, #tpu.memory_space<hbm>> -> memref<512x128xf32, #tpu.memory_space<hbm>>
        %dma_start3A_21 = arith.constant 0 : i32
        %dma_start3A_22 = tpu.memref_slice %arg4[%add3A_14, %dma_start3A_21] : memref<32768x128xf32, #tpu.memory_space<hbm>> -> memref<512x128xf32, #tpu.memory_space<hbm>>
        tpu.enqueue_dma source(%arg6 : memref<512x128xf32, #tpu.memory_space<vmem>>) target(%dma_start3A_22 : memref<512x128xf32, #tpu.memory_space<hbm>>) target_semaphore(%run_scoped3A : memref<!tpu.dma_semaphore, #tpu.memory_space<semaphore_mem>>)
        %dma_wait3A_23 = arith.constant 0 : i32
        %dma_wait3A_24 = tpu.memref_slice %arg4[%add3A_14, %dma_wait3A_23] : memref<32768x128xf32, #tpu.memory_space<hbm>> -> memref<512x128xf32, #tpu.memory_space<hbm>>
        %dma_wait3A_25 = arith.constant 0 : i32
        %dma_wait3A_26 = tpu.memref_slice %arg4[%add3A_14, %dma_wait3A_25] : memref<32768x128xf32, #tpu.memory_space<hbm>> -> memref<512x128xf32, #tpu.memory_space<hbm>>
        tpu.wait_dma2 semaphore(%run_scoped3A : memref<!tpu.dma_semaphore, #tpu.memory_space<semaphore_mem>>) src(%arg6 : memref<512x128xf32, #tpu.memory_space<vmem>>) dst(%dma_wait3A_26 : memref<512x128xf32, #tpu.memory_space<hbm>>)
        tpu.yield
      }) : () -> ()
    }
    %scan3A_4 = arith.constant 2 : i32
    return
  }
}

module attributes {stable_mosaic.version = 14 : i64} {
  func.func @_sims_body(%arg0: i32, %arg1: i32, %arg2: memref<1024x128xbf16, #tpu.memory_space<vmem>>, %arg3: memref<2048x128xbf16, #tpu.memory_space<vmem>>, %arg4: memref<1024x16x128xf32, #tpu.memory_space<vmem>>, %arg5: memref<1024x8xi32, #tpu.memory_space<vmem>>, %arg6: memref<1024x8xi32, #tpu.memory_space<vmem>>, %arg7: memref<1024x8xf32, #tpu.memory_space<vmem>>, %arg8: memref<1024x8xi32, #tpu.memory_space<vmem>>, %arg9: memref<8x1024x16xf32, #tpu.memory_space<vmem>>) attributes {dimension_semantics = [#tpu.dimension_semantics<arbitrary>, #tpu.dimension_semantics<arbitrary>], iteration_bounds = array<i64: 4, 32>, scalar_prefetch = 0 : i64, scratch_operands = 3 : i64, tpu.core_type = #tpu.core_type<tc>, window_params = [{transform_indices = @transform_0, window_bounds = array<i64: 1024, 128>}, {transform_indices = @transform_1, window_bounds = array<i64: 2048, 128>}, {transform_indices = @transform_2, window_bounds = array<i64: 1024, 16, 128>}, {transform_indices = @transform_3, window_bounds = array<i64: 1024, 8>}, {transform_indices = @transform_4, window_bounds = array<i64: 1024, 8>}]} {
    %get3A = arith.constant 0 : index
    %get3A_0 = arith.constant 0 : index
    %get3A_1 = vector.load %arg2[%get3A, %get3A_0] : memref<1024x128xbf16, #tpu.memory_space<vmem>>, vector<1024x128xbf16>
    %get3A_2 = arith.constant 0 : index
    %get3A_3 = arith.constant 0 : index
    %get3A_4 = vector.load %arg3[%get3A_2, %get3A_3] : memref<2048x128xbf16, #tpu.memory_space<vmem>>, vector<2048x128xbf16>
    %dot_general3A = arith.constant dense<0.000000e+00> : vector<1024x2048xf32>
    %dot_general3A_5 = tpu.matmul %get3A_1, %get3A_4, %dot_general3A {dimension_numbers = #tpu.dot_dimension_numbers<[1], [1], [0], [0], [0, 0, 1, 0], [], []>, transpose_lhs_hint = false} : vector<1024x128xbf16>, vector<2048x128xbf16>, vector<1024x2048xf32> -> vector<1024x2048xf32>
    %slice3A = vector.extract_strided_slice %dot_general3A_5 {offsets = [0, 0], sizes = [1024, 128], strides = [1, 1]} : vector<1024x2048xf32> to vector<1024x128xf32>
    %swap3A = arith.constant 0 : index
    %swap3A_6 = arith.constant 0 : index
    %swap3A_7 = arith.constant 0 : index
    %swap3A_8 = vector.load %arg4[%swap3A, %swap3A_6, %swap3A_7] : memref<1024x16x128xf32, #tpu.memory_space<vmem>>, vector<1024x1x128xf32>
    %swap3A_9 = vector.shape_cast %swap3A_8 : vector<1024x1x128xf32> to vector<1024x128xf32>
    %swap3A_10 = vector.shape_cast %slice3A : vector<1024x128xf32> to vector<1024x1x128xf32>
    tpu.vector_store %arg4[%swap3A, %swap3A_6, %swap3A_7], %swap3A_10 {strides = array<i32>} : memref<1024x16x128xf32, #tpu.memory_space<vmem>>, vector<1024x1x128xf32>,
    %slice3A_11 = vector.extract_strided_slice %dot_general3A_5 {offsets = [0, 128], sizes = [1024, 128], strides = [1, 1]} : vector<1024x2048xf32> to vector<1024x128xf32>
    %swap3A_12 = arith.constant 0 : index
    %swap3A_13 = arith.constant 1 : index
    %swap3A_14 = arith.constant 0 : index
    %swap3A_15 = vector.load %arg4[%swap3A_12, %swap3A_13, %swap3A_14] : memref<1024x16x128xf32, #tpu.memory_space<vmem>>, vector<1024x1x128xf32>
    %swap3A_16 = vector.shape_cast %swap3A_15 : vector<1024x1x128xf32> to vector<1024x128xf32>
    %swap3A_17 = vector.shape_cast %slice3A_11 : vector<1024x128xf32> to vector<1024x1x128xf32>
    tpu.vector_store %arg4[%swap3A_12, %swap3A_13, %swap3A_14], %swap3A_17 {strides = array<i32>} : memref<1024x16x128xf32, #tpu.memory_space<vmem>>, vector<1024x1x128xf32>,
    %slice3A_18 = vector.extract_strided_slice %dot_general3A_5 {offsets = [0, 256], sizes = [1024, 128], strides = [1, 1]} : vector<1024x2048xf32> to vector<1024x128xf32>
    %swap3A_19 = arith.constant 0 : index
    %swap3A_20 = arith.constant 2 : index
    %swap3A_21 = arith.constant 0 : index
    %swap3A_22 = vector.load %arg4[%swap3A_19, %swap3A_20, %swap3A_21] : memref<1024x16x128xf32, #tpu.memory_space<vmem>>, vector<1024x1x128xf32>
    %swap3A_23 = vector.shape_cast %swap3A_22 : vector<1024x1x128xf32> to vector<1024x128xf32>
    %swap3A_24 = vector.shape_cast %slice3A_18 : vector<1024x128xf32> to vector<1024x1x128xf32>
    tpu.vector_store %arg4[%swap3A_19, %swap3A_20, %swap3A_21], %swap3A_24 {strides = array<i32>} : memref<1024x16x128xf32, #tpu.memory_space<vmem>>, vector<1024x1x128xf32>,
    %slice3A_25 = vector.extract_strided_slice %dot_general3A_5 {offsets = [0, 384], sizes = [1024, 128], strides = [1, 1]} : vector<1024x2048xf32> to vector<1024x128xf32>
    %swap3A_26 = arith.constant 0 : index
    %swap3A_27 = arith.constant 3 : index
    %swap3A_28 = arith.constant 0 : index
    %swap3A_29 = vector.load %arg4[%swap3A_26, %swap3A_27, %swap3A_28] : memref<1024x16x128xf32, #tpu.memory_space<vmem>>, vector<1024x1x128xf32>
    %swap3A_30 = vector.shape_cast %swap3A_29 : vector<1024x1x128xf32> to vector<1024x128xf32>
    %swap3A_31 = vector.shape_cast %slice3A_25 : vector<1024x128xf32> to vector<1024x1x128xf32>
    tpu.vector_store %arg4[%swap3A_26, %swap3A_27, %swap3A_28], %swap3A_31 {strides = array<i32>} : memref<1024x16x128xf32, #tpu.memory_space<vmem>>, vector<1024x1x128xf32>,
    %slice3A_32 = vector.extract_strided_slice %dot_general3A_5 {offsets = [0, 512], sizes = [1024, 128], strides = [1, 1]} : vector<1024x2048xf32> to vector<1024x128xf32>
    %swap3A_33 = arith.constant 0 : index
    %swap3A_34 = arith.constant 4 : index
    %swap3A_35 = arith.constant 0 : index
    %swap3A_36 = vector.load %arg4[%swap3A_33, %swap3A_34, %swap3A_35] : memref<1024x16x128xf32, #tpu.memory_space<vmem>>, vector<1024x1x128xf32>
    %swap3A_37 = vector.shape_cast %swap3A_36 : vector<1024x1x128xf32> to vector<1024x128xf32>
    %swap3A_38 = vector.shape_cast %slice3A_32 : vector<1024x128xf32> to vector<1024x1x128xf32>
    tpu.vector_store %arg4[%swap3A_33, %swap3A_34, %swap3A_35], %swap3A_38 {strides = array<i32>} : memref<1024x16x128xf32, #tpu.memory_space<vmem>>, vector<1024x1x128xf32>,
    %slice3A_39 = vector.extract_strided_slice %dot_general3A_5 {offsets = [0, 640], sizes = [1024, 128], strides = [1, 1]} : vector<1024x2048xf32> to vector<1024x128xf32>
    %swap3A_40 = arith.constant 0 : index
    %swap3A_41 = arith.constant 5 : index
    %swap3A_42 = arith.constant 0 : index
    %swap3A_43 = vector.load %arg4[%swap3A_40, %swap3A_41, %swap3A_42] : memref<1024x16x128xf32, #tpu.memory_space<vmem>>, vector<1024x1x128xf32>
    %swap3A_44 = vector.shape_cast %swap3A_43 : vector<1024x1x128xf32> to vector<1024x128xf32>
    %swap3A_45 = vector.shape_cast %slice3A_39 : vector<1024x128xf32> to vector<1024x1x128xf32>
    tpu.vector_store %arg4[%swap3A_40, %swap3A_41, %swap3A_42], %swap3A_45 {strides = array<i32>} : memref<1024x16x128xf32, #tpu.memory_space<vmem>>, vector<1024x1x128xf32>,
    %slice3A_46 = vector.extract_strided_slice %dot_general3A_5 {offsets = [0, 768], sizes = [1024, 128], strides = [1, 1]} : vector<1024x2048xf32> to vector<1024x128xf32>
    %swap3A_47 = arith.constant 0 : index
    %swap3A_48 = arith.constant 6 : index
    %swap3A_49 = arith.constant 0 : index
    %swap3A_50 = vector.load %arg4[%swap3A_47, %swap3A_48, %swap3A_49] : memref<1024x16x128xf32, #tpu.memory_space<vmem>>, vector<1024x1x128xf32>
    %swap3A_51 = vector.shape_cast %swap3A_50 : vector<1024x1x128xf32> to vector<1024x128xf32>
    %swap3A_52 = vector.shape_cast %slice3A_46 : vector<1024x128xf32> to vector<1024x1x128xf32>
    tpu.vector_store %arg4[%swap3A_47, %swap3A_48, %swap3A_49], %swap3A_52 {strides = array<i32>} : memref<1024x16x128xf32, #tpu.memory_space<vmem>>, vector<1024x1x128xf32>,
    %slice3A_53 = vector.extract_strided_slice %dot_general3A_5 {offsets = [0, 896], sizes = [1024, 128], strides = [1, 1]} : vector<1024x2048xf32> to vector<1024x128xf32>
    %swap3A_54 = arith.constant 0 : index
    %swap3A_55 = arith.constant 7 : index
    %swap3A_56 = arith.constant 0 : index
    %swap3A_57 = vector.load %arg4[%swap3A_54, %swap3A_55, %swap3A_56] : memref<1024x16x128xf32, #tpu.memory_space<vmem>>, vector<1024x1x128xf32>
    %swap3A_58 = vector.shape_cast %swap3A_57 : vector<1024x1x128xf32> to vector<1024x128xf32>
    %swap3A_59 = vector.shape_cast %slice3A_53 : vector<1024x128xf32> to vector<1024x1x128xf32>
    tpu.vector_store %arg4[%swap3A_54, %swap3A_55, %swap3A_56], %swap3A_59 {strides = array<i32>} : memref<1024x16x128xf32, #tpu.memory_space<vmem>>, vector<1024x1x128xf32>,
    %slice3A_60 = vector.extract_strided_slice %dot_general3A_5 {offsets = [0, 1024], sizes = [1024, 128], strides = [1, 1]} : vector<1024x2048xf32> to vector<1024x128xf32>
    %swap3A_61 = arith.constant 0 : index
    %swap3A_62 = arith.constant 8 : index
    %swap3A_63 = arith.constant 0 : index
    %swap3A_64 = vector.load %arg4[%swap3A_61, %swap3A_62, %swap3A_63] : memref<1024x16x128xf32, #tpu.memory_space<vmem>>, vector<1024x1x128xf32>
    %swap3A_65 = vector.shape_cast %swap3A_64 : vector<1024x1x128xf32> to vector<1024x128xf32>
    %swap3A_66 = vector.shape_cast %slice3A_60 : vector<1024x128xf32> to vector<1024x1x128xf32>
    tpu.vector_store %arg4[%swap3A_61, %swap3A_62, %swap3A_63], %swap3A_66 {strides = array<i32>} : memref<1024x16x128xf32, #tpu.memory_space<vmem>>, vector<1024x1x128xf32>,
    %slice3A_67 = vector.extract_strided_slice %dot_general3A_5 {offsets = [0, 1152], sizes = [1024, 128], strides = [1, 1]} : vector<1024x2048xf32> to vector<1024x128xf32>
    %swap3A_68 = arith.constant 0 : index
    %swap3A_69 = arith.constant 9 : index
    %swap3A_70 = arith.constant 0 : index
    %swap3A_71 = vector.load %arg4[%swap3A_68, %swap3A_69, %swap3A_70] : memref<1024x16x128xf32, #tpu.memory_space<vmem>>, vector<1024x1x128xf32>
    %swap3A_72 = vector.shape_cast %swap3A_71 : vector<1024x1x128xf32> to vector<1024x128xf32>
    %swap3A_73 = vector.shape_cast %slice3A_67 : vector<1024x128xf32> to vector<1024x1x128xf32>
    tpu.vector_store %arg4[%swap3A_68, %swap3A_69, %swap3A_70], %swap3A_73 {strides = array<i32>} : memref<1024x16x128xf32, #tpu.memory_space<vmem>>, vector<1024x1x128xf32>,
    %slice3A_74 = vector.extract_strided_slice %dot_general3A_5 {offsets = [0, 1280], sizes = [1024, 128], strides = [1, 1]} : vector<1024x2048xf32> to vector<1024x128xf32>
    %swap3A_75 = arith.constant 0 : index
    %swap3A_76 = arith.constant 10 : index
    %swap3A_77 = arith.constant 0 : index
    %swap3A_78 = vector.load %arg4[%swap3A_75, %swap3A_76, %swap3A_77] : memref<1024x16x128xf32, #tpu.memory_space<vmem>>, vector<1024x1x128xf32>
    %swap3A_79 = vector.shape_cast %swap3A_78 : vector<1024x1x128xf32> to vector<1024x128xf32>
    %swap3A_80 = vector.shape_cast %slice3A_74 : vector<1024x128xf32> to vector<1024x1x128xf32>
    tpu.vector_store %arg4[%swap3A_75, %swap3A_76, %swap3A_77], %swap3A_80 {strides = array<i32>} : memref<1024x16x128xf32, #tpu.memory_space<vmem>>, vector<1024x1x128xf32>,
    %slice3A_81 = vector.extract_strided_slice %dot_general3A_5 {offsets = [0, 1408], sizes = [1024, 128], strides = [1, 1]} : vector<1024x2048xf32> to vector<1024x128xf32>
    %swap3A_82 = arith.constant 0 : index
    %swap3A_83 = arith.constant 11 : index
    %swap3A_84 = arith.constant 0 : index
    %swap3A_85 = vector.load %arg4[%swap3A_82, %swap3A_83, %swap3A_84] : memref<1024x16x128xf32, #tpu.memory_space<vmem>>, vector<1024x1x128xf32>
    %swap3A_86 = vector.shape_cast %swap3A_85 : vector<1024x1x128xf32> to vector<1024x128xf32>
    %swap3A_87 = vector.shape_cast %slice3A_81 : vector<1024x128xf32> to vector<1024x1x128xf32>
    tpu.vector_store %arg4[%swap3A_82, %swap3A_83, %swap3A_84], %swap3A_87 {strides = array<i32>} : memref<1024x16x128xf32, #tpu.memory_space<vmem>>, vector<1024x1x128xf32>,
    %slice3A_88 = vector.extract_strided_slice %dot_general3A_5 {offsets = [0, 1536], sizes = [1024, 128], strides = [1, 1]} : vector<1024x2048xf32> to vector<1024x128xf32>
    %swap3A_89 = arith.constant 0 : index
    %swap3A_90 = arith.constant 12 : index
    %swap3A_91 = arith.constant 0 : index
    %swap3A_92 = vector.load %arg4[%swap3A_89, %swap3A_90, %swap3A_91] : memref<1024x16x128xf32, #tpu.memory_space<vmem>>, vector<1024x1x128xf32>
    %swap3A_93 = vector.shape_cast %swap3A_92 : vector<1024x1x128xf32> to vector<1024x128xf32>
    %swap3A_94 = vector.shape_cast %slice3A_88 : vector<1024x128xf32> to vector<1024x1x128xf32>
    tpu.vector_store %arg4[%swap3A_89, %swap3A_90, %swap3A_91], %swap3A_94 {strides = array<i32>} : memref<1024x16x128xf32, #tpu.memory_space<vmem>>, vector<1024x1x128xf32>,
    %slice3A_95 = vector.extract_strided_slice %dot_general3A_5 {offsets = [0, 1664], sizes = [1024, 128], strides = [1, 1]} : vector<1024x2048xf32> to vector<1024x128xf32>
    %swap3A_96 = arith.constant 0 : index
    %swap3A_97 = arith.constant 13 : index
    %swap3A_98 = arith.constant 0 : index
    %swap3A_99 = vector.load %arg4[%swap3A_96, %swap3A_97, %swap3A_98] : memref<1024x16x128xf32, #tpu.memory_space<vmem>>, vector<1024x1x128xf32>
    %swap3A_100 = vector.shape_cast %swap3A_99 : vector<1024x1x128xf32> to vector<1024x128xf32>
    %swap3A_101 = vector.shape_cast %slice3A_95 : vector<1024x128xf32> to vector<1024x1x128xf32>
    tpu.vector_store %arg4[%swap3A_96, %swap3A_97, %swap3A_98], %swap3A_101 {strides = array<i32>} : memref<1024x16x128xf32, #tpu.memory_space<vmem>>, vector<1024x1x128xf32>,
    %slice3A_102 = vector.extract_strided_slice %dot_general3A_5 {offsets = [0, 1792], sizes = [1024, 128], strides = [1, 1]} : vector<1024x2048xf32> to vector<1024x128xf32>
    %swap3A_103 = arith.constant 0 : index
    %swap3A_104 = arith.constant 14 : index
    %swap3A_105 = arith.constant 0 : index
    %swap3A_106 = vector.load %arg4[%swap3A_103, %swap3A_104, %swap3A_105] : memref<1024x16x128xf32, #tpu.memory_space<vmem>>, vector<1024x1x128xf32>
    %swap3A_107 = vector.shape_cast %swap3A_106 : vector<1024x1x128xf32> to vector<1024x128xf32>
    %swap3A_108 = vector.shape_cast %slice3A_102 : vector<1024x128xf32> to vector<1024x1x128xf32>
    tpu.vector_store %arg4[%swap3A_103, %swap3A_104, %swap3A_105], %swap3A_108 {strides = array<i32>} : memref<1024x16x128xf32, #tpu.memory_space<vmem>>, vector<1024x1x128xf32>,
    %slice3A_109 = vector.extract_strided_slice %dot_general3A_5 {offsets = [0, 1920], sizes = [1024, 128], strides = [1, 1]} : vector<1024x2048xf32> to vector<1024x128xf32>
    %swap3A_110 = arith.constant 0 : index
    %swap3A_111 = arith.constant 15 : index
    %swap3A_112 = arith.constant 0 : index
    %swap3A_113 = vector.load %arg4[%swap3A_110, %swap3A_111, %swap3A_112] : memref<1024x16x128xf32, #tpu.memory_space<vmem>>, vector<1024x1x128xf32>
    %swap3A_114 = vector.shape_cast %swap3A_113 : vector<1024x1x128xf32> to vector<1024x128xf32>
    %swap3A_115 = vector.shape_cast %slice3A_109 : vector<1024x128xf32> to vector<1024x1x128xf32>
    tpu.vector_store %arg4[%swap3A_110, %swap3A_111, %swap3A_112], %swap3A_115 {strides = array<i32>} : memref<1024x16x128xf32, #tpu.memory_space<vmem>>, vector<1024x1x128xf32>,
    %slice3A_116 = vector.extract_strided_slice %dot_general3A_5 {offsets = [0, 0], sizes = [1024, 128], strides = [1, 1]} : vector<1024x2048xf32> to vector<1024x128xf32>
    %reduce_max3A = arith.constant dense<0xFF800000> : vector<1024xf32>
    %reduce_max3A_117 = vector.multi_reduction <maximumf>, %slice3A_116, %reduce_max3A [1] : vector<1024x128xf32> to vector<1024xf32>
    %broadcast_in_dim3A = vector.shape_cast %reduce_max3A_117 : vector<1024xf32> to vector<1024x1xf32>
    %slice3A_118 = vector.extract_strided_slice %dot_general3A_5 {offsets = [0, 128], sizes = [1024, 128], strides = [1, 1]} : vector<1024x2048xf32> to vector<1024x128xf32>
    %reduce_max3A_119 = arith.constant dense<0xFF800000> : vector<1024xf32>
    %reduce_max3A_120 = vector.multi_reduction <maximumf>, %slice3A_118, %reduce_max3A_119 [1] : vector<1024x128xf32> to vector<1024xf32>
    %broadcast_in_dim3A_121 = vector.shape_cast %reduce_max3A_120 : vector<1024xf32> to vector<1024x1xf32>
    %slice3A_122 = vector.extract_strided_slice %dot_general3A_5 {offsets = [0, 256], sizes = [1024, 128], strides = [1, 1]} : vector<1024x2048xf32> to vector<1024x128xf32>
    %reduce_max3A_123 = arith.constant dense<0xFF800000> : vector<1024xf32>
    %reduce_max3A_124 = vector.multi_reduction <maximumf>, %slice3A_122, %reduce_max3A_123 [1] : vector<1024x128xf32> to vector<1024xf32>
    %broadcast_in_dim3A_125 = vector.shape_cast %reduce_max3A_124 : vector<1024xf32> to vector<1024x1xf32>
    %slice3A_126 = vector.extract_strided_slice %dot_general3A_5 {offsets = [0, 384], sizes = [1024, 128], strides = [1, 1]} : vector<1024x2048xf32> to vector<1024x128xf32>
    %reduce_max3A_127 = arith.constant dense<0xFF800000> : vector<1024xf32>
    %reduce_max3A_128 = vector.multi_reduction <maximumf>, %slice3A_126, %reduce_max3A_127 [1] : vector<1024x128xf32> to vector<1024xf32>
    %broadcast_in_dim3A_129 = vector.shape_cast %reduce_max3A_128 : vector<1024xf32> to vector<1024x1xf32>
    %slice3A_130 = vector.extract_strided_slice %dot_general3A_5 {offsets = [0, 512], sizes = [1024, 128], strides = [1, 1]} : vector<1024x2048xf32> to vector<1024x128xf32>
    %reduce_max3A_131 = arith.constant dense<0xFF800000> : vector<1024xf32>
    %reduce_max3A_132 = vector.multi_reduction <maximumf>, %slice3A_130, %reduce_max3A_131 [1] : vector<1024x128xf32> to vector<1024xf32>
    %broadcast_in_dim3A_133 = vector.shape_cast %reduce_max3A_132 : vector<1024xf32> to vector<1024x1xf32>
    %slice3A_134 = vector.extract_strided_slice %dot_general3A_5 {offsets = [0, 640], sizes = [1024, 128], strides = [1, 1]} : vector<1024x2048xf32> to vector<1024x128xf32>
    %reduce_max3A_135 = arith.constant dense<0xFF800000> : vector<1024xf32>
    %reduce_max3A_136 = vector.multi_reduction <maximumf>, %slice3A_134, %reduce_max3A_135 [1] : vector<1024x128xf32> to vector<1024xf32>
    %broadcast_in_dim3A_137 = vector.shape_cast %reduce_max3A_136 : vector<1024xf32> to vector<1024x1xf32>
    %slice3A_138 = vector.extract_strided_slice %dot_general3A_5 {offsets = [0, 768], sizes = [1024, 128], strides = [1, 1]} : vector<1024x2048xf32> to vector<1024x128xf32>
    %reduce_max3A_139 = arith.constant dense<0xFF800000> : vector<1024xf32>
    %reduce_max3A_140 = vector.multi_reduction <maximumf>, %slice3A_138, %reduce_max3A_139 [1] : vector<1024x128xf32> to vector<1024xf32>
    %broadcast_in_dim3A_141 = vector.shape_cast %reduce_max3A_140 : vector<1024xf32> to vector<1024x1xf32>
    %slice3A_142 = vector.extract_strided_slice %dot_general3A_5 {offsets = [0, 896], sizes = [1024, 128], strides = [1, 1]} : vector<1024x2048xf32> to vector<1024x128xf32>
    %reduce_max3A_143 = arith.constant dense<0xFF800000> : vector<1024xf32>
    %reduce_max3A_144 = vector.multi_reduction <maximumf>, %slice3A_142, %reduce_max3A_143 [1] : vector<1024x128xf32> to vector<1024xf32>
    %broadcast_in_dim3A_145 = vector.shape_cast %reduce_max3A_144 : vector<1024xf32> to vector<1024x1xf32>
    %slice3A_146 = vector.extract_strided_slice %dot_general3A_5 {offsets = [0, 1024], sizes = [1024, 128], strides = [1, 1]} : vector<1024x2048xf32> to vector<1024x128xf32>
    %reduce_max3A_147 = arith.constant dense<0xFF800000> : vector<1024xf32>
    %reduce_max3A_148 = vector.multi_reduction <maximumf>, %slice3A_146, %reduce_max3A_147 [1] : vector<1024x128xf32> to vector<1024xf32>
    %broadcast_in_dim3A_149 = vector.shape_cast %reduce_max3A_148 : vector<1024xf32> to vector<1024x1xf32>
    %slice3A_150 = vector.extract_strided_slice %dot_general3A_5 {offsets = [0, 1152], sizes = [1024, 128], strides = [1, 1]} : vector<1024x2048xf32> to vector<1024x128xf32>
    %reduce_max3A_151 = arith.constant dense<0xFF800000> : vector<1024xf32>
    %reduce_max3A_152 = vector.multi_reduction <maximumf>, %slice3A_150, %reduce_max3A_151 [1] : vector<1024x128xf32> to vector<1024xf32>
    %broadcast_in_dim3A_153 = vector.shape_cast %reduce_max3A_152 : vector<1024xf32> to vector<1024x1xf32>
    %slice3A_154 = vector.extract_strided_slice %dot_general3A_5 {offsets = [0, 1280], sizes = [1024, 128], strides = [1, 1]} : vector<1024x2048xf32> to vector<1024x128xf32>
    %reduce_max3A_155 = arith.constant dense<0xFF800000> : vector<1024xf32>
    %reduce_max3A_156 = vector.multi_reduction <maximumf>, %slice3A_154, %reduce_max3A_155 [1] : vector<1024x128xf32> to vector<1024xf32>
    %broadcast_in_dim3A_157 = vector.shape_cast %reduce_max3A_156 : vector<1024xf32> to vector<1024x1xf32>
    %slice3A_158 = vector.extract_strided_slice %dot_general3A_5 {offsets = [0, 1408], sizes = [1024, 128], strides = [1, 1]} : vector<1024x2048xf32> to vector<1024x128xf32>
    %reduce_max3A_159 = arith.constant dense<0xFF800000> : vector<1024xf32>
    %reduce_max3A_160 = vector.multi_reduction <maximumf>, %slice3A_158, %reduce_max3A_159 [1] : vector<1024x128xf32> to vector<1024xf32>
    %broadcast_in_dim3A_161 = vector.shape_cast %reduce_max3A_160 : vector<1024xf32> to vector<1024x1xf32>
    %slice3A_162 = vector.extract_strided_slice %dot_general3A_5 {offsets = [0, 1536], sizes = [1024, 128], strides = [1, 1]} : vector<1024x2048xf32> to vector<1024x128xf32>
    %reduce_max3A_163 = arith.constant dense<0xFF800000> : vector<1024xf32>
    %reduce_max3A_164 = vector.multi_reduction <maximumf>, %slice3A_162, %reduce_max3A_163 [1] : vector<1024x128xf32> to vector<1024xf32>
    %broadcast_in_dim3A_165 = vector.shape_cast %reduce_max3A_164 : vector<1024xf32> to vector<1024x1xf32>
    %slice3A_166 = vector.extract_strided_slice %dot_general3A_5 {offsets = [0, 1664], sizes = [1024, 128], strides = [1, 1]} : vector<1024x2048xf32> to vector<1024x128xf32>
    %reduce_max3A_167 = arith.constant dense<0xFF800000> : vector<1024xf32>
    %reduce_max3A_168 = vector.multi_reduction <maximumf>, %slice3A_166, %reduce_max3A_167 [1] : vector<1024x128xf32> to vector<1024xf32>
    %broadcast_in_dim3A_169 = vector.shape_cast %reduce_max3A_168 : vector<1024xf32> to vector<1024x1xf32>
    %slice3A_170 = vector.extract_strided_slice %dot_general3A_5 {offsets = [0, 1792], sizes = [1024, 128], strides = [1, 1]} : vector<1024x2048xf32> to vector<1024x128xf32>
    %reduce_max3A_171 = arith.constant dense<0xFF800000> : vector<1024xf32>
    %reduce_max3A_172 = vector.multi_reduction <maximumf>, %slice3A_170, %reduce_max3A_171 [1] : vector<1024x128xf32> to vector<1024xf32>
    %broadcast_in_dim3A_173 = vector.shape_cast %reduce_max3A_172 : vector<1024xf32> to vector<1024x1xf32>
    %slice3A_174 = vector.extract_strided_slice %dot_general3A_5 {offsets = [0, 1920], sizes = [1024, 128], strides = [1, 1]} : vector<1024x2048xf32> to vector<1024x128xf32>
    %reduce_max3A_175 = arith.constant dense<0xFF800000> : vector<1024xf32>
    %reduce_max3A_176 = vector.multi_reduction <maximumf>, %slice3A_174, %reduce_max3A_175 [1] : vector<1024x128xf32> to vector<1024xf32>
    %broadcast_in_dim3A_177 = vector.shape_cast %reduce_max3A_176 : vector<1024xf32> to vector<1024x1xf32>
    %concatenate3A = tpu.concatenate %broadcast_in_dim3A, %broadcast_in_dim3A_121, %broadcast_in_dim3A_125, %broadcast_in_dim3A_129, %broadcast_in_dim3A_133, %broadcast_in_dim3A_137, %broadcast_in_dim3A_141, %broadcast_in_dim3A_145, %broadcast_in_dim3A_149, %broadcast_in_dim3A_153, %broadcast_in_dim3A_157, %broadcast_in_dim3A_161, %broadcast_in_dim3A_165, %broadcast_in_dim3A_169, %broadcast_in_dim3A_173, %broadcast_in_dim3A_177 in 1 : vector<1024x1xf32>, vector<1024x1xf32>, vector<1024x1xf32>, vector<1024x1xf32>, vector<1024x1xf32>, vector<1024x1xf32>, vector<1024x1xf32>, vector<1024x1xf32>, vector<1024x1xf32>, vector<1024x1xf32>, vector<1024x1xf32>, vector<1024x1xf32>, vector<1024x1xf32>, vector<1024x1xf32>, vector<1024x1xf32>, vector<1024x1xf32> -> vector<1024x16xf32>
    %jit3A = arith.constant 8 : i32
    %eq3A = arith.constant 0 : i32
    %eq3A_178 = arith.cmpi eq, %jit3A, %eq3A : i32
    %jit3A_179 = arith.constant 1 : i32
    %select_n3A = arith.select %eq3A_178, %jit3A_179, %jit3A : i32
    %rem3A = arith.remsi %arg1, %select_n3A : i32
    %ne3A = arith.constant 0 : i32
    %ne3A_180 = arith.cmpi ne, %rem3A, %ne3A : i32
    %lt3A = arith.constant 0 : i32
    %lt3A_181 = arith.cmpi slt, %rem3A, %lt3A : i32
    %lt3A_182 = arith.constant 0 : i32
    %lt3A_183 = arith.cmpi slt, %select_n3A, %lt3A_182 : i32
    %ne3A_184 = arith.xori %lt3A_181, %lt3A_183 : i1
    %and3A = arith.andi %ne3A_184, %ne3A_180 : i1
    %add3A = arith.addi %rem3A, %select_n3A : i32
    %select_n3A_185 = arith.select %and3A, %add3A, %rem3A : i32
    %swap3A_186 = arith.index_cast %select_n3A_185 : i32 to index
    %swap3A_187 = arith.constant 0 : index
    %swap3A_188 = arith.constant 0 : index
    %swap3A_189 = vector.load %arg9[%swap3A_186, %swap3A_187, %swap3A_188] : memref<8x1024x16xf32, #tpu.memory_space<vmem>>, vector<1x1024x16xf32>
    %swap3A_190 = vector.shape_cast %swap3A_189 : vector<1x1024x16xf32> to vector<1024x16xf32>
    %swap3A_191 = vector.shape_cast %concatenate3A : vector<1024x16xf32> to vector<1x1024x16xf32>
    tpu.vector_store %arg9[%swap3A_186, %swap3A_187, %swap3A_188], %swap3A_191 {strides = array<i32>} : memref<8x1024x16xf32, #tpu.memory_space<vmem>>, vector<1x1024x16xf32>,
    %eq3A_192 = arith.constant 0 : i32
    %eq3A_193 = arith.cmpi eq, %arg1, %eq3A_192 : i32
    %convert_element_type3A = arith.extui %eq3A_193 : i1 to i32
    %cond3A = arith.constant 0 : i32
    %cond3A_194 = arith.cmpi ne, %convert_element_type3A, %cond3A : i32
    scf.if %cond3A_194 {
      %broadcast_in_dim3A_221 = arith.constant 0xFF800000 : f32
      %broadcast_in_dim3A_222 = vector.broadcast %broadcast_in_dim3A_221 : f32 to vector<1024x8xf32>
      %swap3A_223 = arith.constant 0 : index
      %swap3A_224 = arith.constant 0 : index
      %swap3A_225 = vector.load %arg7[%swap3A_223, %swap3A_224] : memref<1024x8xf32, #tpu.memory_space<vmem>>, vector<1024x8xf32>
      tpu.vector_store %arg7[%swap3A_223, %swap3A_224], %broadcast_in_dim3A_222 {strides = array<i32>} : memref<1024x8xf32, #tpu.memory_space<vmem>>, vector<1024x8xf32>,
      %broadcast_in_dim3A_226 = arith.constant 0 : i32
      %broadcast_in_dim3A_227 = vector.broadcast %broadcast_in_dim3A_226 : i32 to vector<1024x8xi32>
      %swap3A_228 = arith.constant 0 : index
      %swap3A_229 = arith.constant 0 : index
      %swap3A_230 = vector.load %arg8[%swap3A_228, %swap3A_229] : memref<1024x8xi32, #tpu.memory_space<vmem>>, vector<1024x8xi32>
      tpu.vector_store %arg8[%swap3A_228, %swap3A_229], %broadcast_in_dim3A_227 {strides = array<i32>} : memref<1024x8xi32, #tpu.memory_space<vmem>>, vector<1024x8xi32>,
    } else {
    }
    %jit3A_195 = arith.constant 8 : i32
    %eq3A_196 = arith.constant 0 : i32
    %eq3A_197 = arith.cmpi eq, %jit3A_195, %eq3A_196 : i32
    %jit3A_198 = arith.constant 1 : i32
    %select_n3A_199 = arith.select %eq3A_197, %jit3A_198, %jit3A_195 : i32
    %rem3A_200 = arith.remsi %arg1, %select_n3A_199 : i32
    %ne3A_201 = arith.constant 0 : i32
    %ne3A_202 = arith.cmpi ne, %rem3A_200, %ne3A_201 : i32
    %lt3A_203 = arith.constant 0 : i32
    %lt3A_204 = arith.cmpi slt, %rem3A_200, %lt3A_203 : i32
    %lt3A_205 = arith.constant 0 : i32
    %lt3A_206 = arith.cmpi slt, %select_n3A_199, %lt3A_205 : i32
    %ne3A_207 = arith.xori %lt3A_204, %lt3A_206 : i1
    %and3A_208 = arith.andi %ne3A_207, %ne3A_202 : i1
    %add3A_209 = arith.addi %rem3A_200, %select_n3A_199 : i32
    %select_n3A_210 = arith.select %and3A_208, %add3A_209, %rem3A_200 : i32
    %eq3A_211 = arith.constant 7 : i32
    %eq3A_212 = arith.cmpi eq, %select_n3A_210, %eq3A_211 : i32
    %convert_element_type3A_213 = arith.extui %eq3A_212 : i1 to i32
    %cond3A_214 = arith.constant 0 : i32
    %cond3A_215 = arith.cmpi ne, %convert_element_type3A_213, %cond3A_214 : i32
    scf.if %cond3A_215 {
      %get3A_221 = arith.constant 0 : index
      %get3A_222 = arith.constant 0 : index
      %get3A_223 = arith.constant 0 : index
      %get3A_224 = vector.load %arg9[%get3A_221, %get3A_222, %get3A_223] : memref<8x1024x16xf32, #tpu.memory_space<vmem>>, vector<1x1024x16xf32>
      %get3A_225 = vector.shape_cast %get3A_224 : vector<1x1024x16xf32> to vector<1024x16xf32>
      %get3A_226 = arith.constant 1 : index
      %get3A_227 = arith.constant 0 : index
      %get3A_228 = arith.constant 0 : index
      %get3A_229 = vector.load %arg9[%get3A_226, %get3A_227, %get3A_228] : memref<8x1024x16xf32, #tpu.memory_space<vmem>>, vector<1x1024x16xf32>
      %get3A_230 = vector.shape_cast %get3A_229 : vector<1x1024x16xf32> to vector<1024x16xf32>
      %get3A_231 = arith.constant 2 : index
      %get3A_232 = arith.constant 0 : index
      %get3A_233 = arith.constant 0 : index
      %get3A_234 = vector.load %arg9[%get3A_231, %get3A_232, %get3A_233] : memref<8x1024x16xf32, #tpu.memory_space<vmem>>, vector<1x1024x16xf32>
      %get3A_235 = vector.shape_cast %get3A_234 : vector<1x1024x16xf32> to vector<1024x16xf32>
      %get3A_236 = arith.constant 3 : index
      %get3A_237 = arith.constant 0 : index
      %get3A_238 = arith.constant 0 : index
      %get3A_239 = vector.load %arg9[%get3A_236, %get3A_237, %get3A_238] : memref<8x1024x16xf32, #tpu.memory_space<vmem>>, vector<1x1024x16xf32>
      %get3A_240 = vector.shape_cast %get3A_239 : vector<1x1024x16xf32> to vector<1024x16xf32>
      %get3A_241 = arith.constant 4 : index
      %get3A_242 = arith.constant 0 : index
      %get3A_243 = arith.constant 0 : index
      %get3A_244 = vector.load %arg9[%get3A_241, %get3A_242, %get3A_243] : memref<8x1024x16xf32, #tpu.memory_space<vmem>>, vector<1x1024x16xf32>
      %get3A_245 = vector.shape_cast %get3A_244 : vector<1x1024x16xf32> to vector<1024x16xf32>
      %get3A_246 = arith.constant 5 : index
      %get3A_247 = arith.constant 0 : index
      %get3A_248 = arith.constant 0 : index
      %get3A_249 = vector.load %arg9[%get3A_246, %get3A_247, %get3A_248] : memref<8x1024x16xf32, #tpu.memory_space<vmem>>, vector<1x1024x16xf32>
      %get3A_250 = vector.shape_cast %get3A_249 : vector<1x1024x16xf32> to vector<1024x16xf32>
      %get3A_251 = arith.constant 6 : index
      %get3A_252 = arith.constant 0 : index
      %get3A_253 = arith.constant 0 : index
      %get3A_254 = vector.load %arg9[%get3A_251, %get3A_252, %get3A_253] : memref<8x1024x16xf32, #tpu.memory_space<vmem>>, vector<1x1024x16xf32>
      %get3A_255 = vector.shape_cast %get3A_254 : vector<1x1024x16xf32> to vector<1024x16xf32>
      %get3A_256 = arith.constant 7 : index
      %get3A_257 = arith.constant 0 : index
      %get3A_258 = arith.constant 0 : index
      %get3A_259 = vector.load %arg9[%get3A_256, %get3A_257, %get3A_258] : memref<8x1024x16xf32, #tpu.memory_space<vmem>>, vector<1x1024x16xf32>
      %get3A_260 = vector.shape_cast %get3A_259 : vector<1x1024x16xf32> to vector<1024x16xf32>
      %concatenate3A_261 = tpu.concatenate %get3A_225, %get3A_230, %get3A_235, %get3A_240, %get3A_245, %get3A_250, %get3A_255, %get3A_260 in 1 : vector<1024x16xf32>, vector<1024x16xf32>, vector<1024x16xf32>, vector<1024x16xf32>, vector<1024x16xf32>, vector<1024x16xf32>, vector<1024x16xf32>, vector<1024x16xf32> -> vector<1024x128xf32>
      %jit3A_262 = arith.constant 8 : i32
      %div3A = arith.divsi %arg1, %jit3A_262 : i32
      %sign3A = arith.constant 0 : i32
      %sign3A_263 = arith.cmpi sgt, %arg1, %sign3A : i32
      %sign3A_264 = arith.extui %sign3A_263 : i1 to i32
      %sign3A_265 = arith.constant 0 : i32
      %sign3A_266 = arith.cmpi slt, %arg1, %sign3A_265 : i32
      %sign3A_267 = arith.extui %sign3A_266 : i1 to i32
      %sign3A_268 = arith.subi %sign3A_264, %sign3A_267 : i32
      %sign3A_269 = arith.constant 0 : i32
      %sign3A_270 = arith.cmpi sgt, %jit3A_262, %sign3A_269 : i32
      %sign3A_271 = arith.extui %sign3A_270 : i1 to i32
      %sign3A_272 = arith.constant 0 : i32
      %sign3A_273 = arith.cmpi slt, %jit3A_262, %sign3A_272 : i32
      %sign3A_274 = arith.extui %sign3A_273 : i1 to i32
      %sign3A_275 = arith.subi %sign3A_271, %sign3A_274 : i32
      %ne3A_276 = arith.cmpi ne, %sign3A_268, %sign3A_275 : i32
      %rem3A_277 = arith.remsi %arg1, %jit3A_262 : i32
      %ne3A_278 = arith.constant 0 : i32
      %ne3A_279 = arith.cmpi ne, %rem3A_277, %ne3A_278 : i32
      %and3A_280 = arith.andi %ne3A_276, %ne3A_279 : i1
      %sub3A = arith.constant 1 : i32
      %sub3A_281 = arith.subi %div3A, %sub3A : i32
      %select_n3A_282 = arith.select %and3A_280, %sub3A_281, %div3A : i32
      %mul3A = arith.constant 128 : i32
      %mul3A_283 = arith.muli %select_n3A_282, %mul3A : i32
      %iota3A = tpu.iota {dimensions = array<i32: 1>} : vector<1024x128xi32>
      %add3A_284 = vector.broadcast %mul3A_283 : i32 to vector<1024x128xi32>
      %add3A_285 = arith.addi %add3A_284, %iota3A : vector<1024x128xi32>
      %get3A_286 = arith.constant 0 : index
      %get3A_287 = arith.constant 0 : index
      %get3A_288 = vector.load %arg7[%get3A_286, %get3A_287] : memref<1024x8xf32, #tpu.memory_space<vmem>>, vector<1024x8xf32>
      %concatenate3A_289 = tpu.concatenate %get3A_288, %concatenate3A_261 in 1 : vector<1024x8xf32>, vector<1024x128xf32> -> vector<1024x136xf32>
      %get3A_290 = arith.constant 0 : index
      %get3A_291 = arith.constant 0 : index
      %get3A_292 = vector.load %arg8[%get3A_290, %get3A_291] : memref<1024x8xi32, #tpu.memory_space<vmem>>, vector<1024x8xi32>
      %concatenate3A_293 = tpu.concatenate %get3A_292, %add3A_285 in 1 : vector<1024x8xi32>, vector<1024x128xi32> -> vector<1024x136xi32>
      %reduce_max3A_294 = arith.constant dense<0xFF800000> : vector<1024xf32>
      %reduce_max3A_295 = vector.multi_reduction <maximumf>, %concatenate3A_289, %reduce_max3A_294 [1] : vector<1024x136xf32> to vector<1024xf32>
      %broadcast_in_dim3A_296 = vector.shape_cast %reduce_max3A_295 : vector<1024xf32> to vector<1024x1xf32>
      %eq3A_297 = vector.broadcast %broadcast_in_dim3A_296 : vector<1024x1xf32> to vector<1024x136xf32>
      %eq3A_298 = arith.cmpf oeq, %concatenate3A_289, %eq3A_297 : vector<1024x136xf32>
      %jit3A_299 = arith.constant 2147483647 : i32
      %broadcast_in_dim3A_300 = vector.broadcast %jit3A_299 : i32 to vector<1024x136xi32>
      %select_n3A_301 = arith.select %eq3A_298, %concatenate3A_293, %broadcast_in_dim3A_300 : vector<1024x136xi1>, vector<1024x136xi32>
      %reduce_min3A = arith.constant dense<2147483647> : vector<1024xi32>
      %reduce_min3A_302 = vector.multi_reduction <minsi>, %select_n3A_301, %reduce_min3A [1] : vector<1024x136xi32> to vector<1024xi32>
      %broadcast_in_dim3A_303 = vector.shape_cast %reduce_min3A_302 : vector<1024xi32> to vector<1024x1xi32>
      %swap3A_304 = arith.constant 0 : index
      %swap3A_305 = arith.constant 0 : index
      %swap3A_306 = vector.load %arg7[%swap3A_304, %swap3A_305] : memref<1024x8xf32, #tpu.memory_space<vmem>>, vector<1024x1xf32>
      tpu.vector_store %arg7[%swap3A_304, %swap3A_305], %broadcast_in_dim3A_296 {strides = array<i32>} : memref<1024x8xf32, #tpu.memory_space<vmem>>, vector<1024x1xf32>,
      %swap3A_307 = arith.constant 0 : index
      %swap3A_308 = arith.constant 0 : index
      %swap3A_309 = vector.load %arg8[%swap3A_307, %swap3A_308] : memref<1024x8xi32, #tpu.memory_space<vmem>>, vector<1024x1xi32>
      tpu.vector_store %arg8[%swap3A_307, %swap3A_308], %broadcast_in_dim3A_303 {strides = array<i32>} : memref<1024x8xi32, #tpu.memory_space<vmem>>, vector<1024x1xi32>,
      %eq3A_310 = vector.broadcast %broadcast_in_dim3A_303 : vector<1024x1xi32> to vector<1024x136xi32>
      %eq3A_311 = arith.cmpi eq, %concatenate3A_293, %eq3A_310 : vector<1024x136xi32>
      %and3A_312 = arith.andi %eq3A_298, %eq3A_311 : vector<1024x136xi1>
      %jit3A_313 = arith.constant 0xFF800000 : f32
      %broadcast_in_dim3A_314 = vector.broadcast %jit3A_313 : f32 to vector<1024x136xf32>
      %select_n3A_315 = arith.select %and3A_312, %broadcast_in_dim3A_314, %concatenate3A_289 : vector<1024x136xi1>, vector<1024x136xf32>
      %reduce_max3A_316 = arith.constant dense<0xFF800000> : vector<1024xf32>
      %reduce_max3A_317 = vector.multi_reduction <maximumf>, %select_n3A_315, %reduce_max3A_316 [1] : vector<1024x136xf32> to vector<1024xf32>
      %broadcast_in_dim3A_318 = vector.shape_cast %reduce_max3A_317 : vector<1024xf32> to vector<1024x1xf32>
      %eq3A_319 = vector.broadcast %broadcast_in_dim3A_318 : vector<1024x1xf32> to vector<1024x136xf32>
      %eq3A_320 = arith.cmpf oeq, %select_n3A_315, %eq3A_319 : vector<1024x136xf32>
      %jit3A_321 = arith.constant 2147483647 : i32
      %broadcast_in_dim3A_322 = vector.broadcast %jit3A_321 : i32 to vector<1024x136xi32>
      %select_n3A_323 = arith.select %eq3A_320, %concatenate3A_293, %broadcast_in_dim3A_322 : vector<1024x136xi1>, vector<1024x136xi32>
      %reduce_min3A_324 = arith.constant dense<2147483647> : vector<1024xi32>
      %reduce_min3A_325 = vector.multi_reduction <minsi>, %select_n3A_323, %reduce_min3A_324 [1] : vector<1024x136xi32> to vector<1024xi32>
      %broadcast_in_dim3A_326 = vector.shape_cast %reduce_min3A_325 : vector<1024xi32> to vector<1024x1xi32>
      %swap3A_327 = arith.constant 0 : index
      %swap3A_328 = arith.constant 1 : index
      %swap3A_329 = vector.load %arg7[%swap3A_327, %swap3A_328] : memref<1024x8xf32, #tpu.memory_space<vmem>>, vector<1024x1xf32>
      tpu.vector_store %arg7[%swap3A_327, %swap3A_328], %broadcast_in_dim3A_318 {strides = array<i32>} : memref<1024x8xf32, #tpu.memory_space<vmem>>, vector<1024x1xf32>,
      %swap3A_330 = arith.constant 0 : index
      %swap3A_331 = arith.constant 1 : index
      %swap3A_332 = vector.load %arg8[%swap3A_330, %swap3A_331] : memref<1024x8xi32, #tpu.memory_space<vmem>>, vector<1024x1xi32>
      tpu.vector_store %arg8[%swap3A_330, %swap3A_331], %broadcast_in_dim3A_326 {strides = array<i32>} : memref<1024x8xi32, #tpu.memory_space<vmem>>, vector<1024x1xi32>,
      %eq3A_333 = vector.broadcast %broadcast_in_dim3A_326 : vector<1024x1xi32> to vector<1024x136xi32>
      %eq3A_334 = arith.cmpi eq, %concatenate3A_293, %eq3A_333 : vector<1024x136xi32>
      %and3A_335 = arith.andi %eq3A_320, %eq3A_334 : vector<1024x136xi1>
      %jit3A_336 = arith.constant 0xFF800000 : f32
      %broadcast_in_dim3A_337 = vector.broadcast %jit3A_336 : f32 to vector<1024x136xf32>
      %select_n3A_338 = arith.select %and3A_335, %broadcast_in_dim3A_337, %select_n3A_315 : vector<1024x136xi1>, vector<1024x136xf32>
      %reduce_max3A_339 = arith.constant dense<0xFF800000> : vector<1024xf32>
      %reduce_max3A_340 = vector.multi_reduction <maximumf>, %select_n3A_338, %reduce_max3A_339 [1] : vector<1024x136xf32> to vector<1024xf32>
      %broadcast_in_dim3A_341 = vector.shape_cast %reduce_max3A_340 : vector<1024xf32> to vector<1024x1xf32>
      %eq3A_342 = vector.broadcast %broadcast_in_dim3A_341 : vector<1024x1xf32> to vector<1024x136xf32>
      %eq3A_343 = arith.cmpf oeq, %select_n3A_338, %eq3A_342 : vector<1024x136xf32>
      %jit3A_344 = arith.constant 2147483647 : i32
      %broadcast_in_dim3A_345 = vector.broadcast %jit3A_344 : i32 to vector<1024x136xi32>
      %select_n3A_346 = arith.select %eq3A_343, %concatenate3A_293, %broadcast_in_dim3A_345 : vector<1024x136xi1>, vector<1024x136xi32>
      %reduce_min3A_347 = arith.constant dense<2147483647> : vector<1024xi32>
      %reduce_min3A_348 = vector.multi_reduction <minsi>, %select_n3A_346, %reduce_min3A_347 [1] : vector<1024x136xi32> to vector<1024xi32>
      %broadcast_in_dim3A_349 = vector.shape_cast %reduce_min3A_348 : vector<1024xi32> to vector<1024x1xi32>
      %swap3A_350 = arith.constant 0 : index
      %swap3A_351 = arith.constant 2 : index
      %swap3A_352 = vector.load %arg7[%swap3A_350, %swap3A_351] : memref<1024x8xf32, #tpu.memory_space<vmem>>, vector<1024x1xf32>
      tpu.vector_store %arg7[%swap3A_350, %swap3A_351], %broadcast_in_dim3A_341 {strides = array<i32>} : memref<1024x8xf32, #tpu.memory_space<vmem>>, vector<1024x1xf32>,
      %swap3A_353 = arith.constant 0 : index
      %swap3A_354 = arith.constant 2 : index
      %swap3A_355 = vector.load %arg8[%swap3A_353, %swap3A_354] : memref<1024x8xi32, #tpu.memory_space<vmem>>, vector<1024x1xi32>
      tpu.vector_store %arg8[%swap3A_353, %swap3A_354], %broadcast_in_dim3A_349 {strides = array<i32>} : memref<1024x8xi32, #tpu.memory_space<vmem>>, vector<1024x1xi32>,
      %eq3A_356 = vector.broadcast %broadcast_in_dim3A_349 : vector<1024x1xi32> to vector<1024x136xi32>
      %eq3A_357 = arith.cmpi eq, %concatenate3A_293, %eq3A_356 : vector<1024x136xi32>
      %and3A_358 = arith.andi %eq3A_343, %eq3A_357 : vector<1024x136xi1>
      %jit3A_359 = arith.constant 0xFF800000 : f32
      %broadcast_in_dim3A_360 = vector.broadcast %jit3A_359 : f32 to vector<1024x136xf32>
      %select_n3A_361 = arith.select %and3A_358, %broadcast_in_dim3A_360, %select_n3A_338 : vector<1024x136xi1>, vector<1024x136xf32>
      %reduce_max3A_362 = arith.constant dense<0xFF800000> : vector<1024xf32>
      %reduce_max3A_363 = vector.multi_reduction <maximumf>, %select_n3A_361, %reduce_max3A_362 [1] : vector<1024x136xf32> to vector<1024xf32>
      %broadcast_in_dim3A_364 = vector.shape_cast %reduce_max3A_363 : vector<1024xf32> to vector<1024x1xf32>
      %eq3A_365 = vector.broadcast %broadcast_in_dim3A_364 : vector<1024x1xf32> to vector<1024x136xf32>
      %eq3A_366 = arith.cmpf oeq, %select_n3A_361, %eq3A_365 : vector<1024x136xf32>
      %jit3A_367 = arith.constant 2147483647 : i32
      %broadcast_in_dim3A_368 = vector.broadcast %jit3A_367 : i32 to vector<1024x136xi32>
      %select_n3A_369 = arith.select %eq3A_366, %concatenate3A_293, %broadcast_in_dim3A_368 : vector<1024x136xi1>, vector<1024x136xi32>
      %reduce_min3A_370 = arith.constant dense<2147483647> : vector<1024xi32>
      %reduce_min3A_371 = vector.multi_reduction <minsi>, %select_n3A_369, %reduce_min3A_370 [1] : vector<1024x136xi32> to vector<1024xi32>
      %broadcast_in_dim3A_372 = vector.shape_cast %reduce_min3A_371 : vector<1024xi32> to vector<1024x1xi32>
      %swap3A_373 = arith.constant 0 : index
      %swap3A_374 = arith.constant 3 : index
      %swap3A_375 = vector.load %arg7[%swap3A_373, %swap3A_374] : memref<1024x8xf32, #tpu.memory_space<vmem>>, vector<1024x1xf32>
      tpu.vector_store %arg7[%swap3A_373, %swap3A_374], %broadcast_in_dim3A_364 {strides = array<i32>} : memref<1024x8xf32, #tpu.memory_space<vmem>>, vector<1024x1xf32>,
      %swap3A_376 = arith.constant 0 : index
      %swap3A_377 = arith.constant 3 : index
      %swap3A_378 = vector.load %arg8[%swap3A_376, %swap3A_377] : memref<1024x8xi32, #tpu.memory_space<vmem>>, vector<1024x1xi32>
      tpu.vector_store %arg8[%swap3A_376, %swap3A_377], %broadcast_in_dim3A_372 {strides = array<i32>} : memref<1024x8xi32, #tpu.memory_space<vmem>>, vector<1024x1xi32>,
      %eq3A_379 = vector.broadcast %broadcast_in_dim3A_372 : vector<1024x1xi32> to vector<1024x136xi32>
      %eq3A_380 = arith.cmpi eq, %concatenate3A_293, %eq3A_379 : vector<1024x136xi32>
      %and3A_381 = arith.andi %eq3A_366, %eq3A_380 : vector<1024x136xi1>
      %jit3A_382 = arith.constant 0xFF800000 : f32
      %broadcast_in_dim3A_383 = vector.broadcast %jit3A_382 : f32 to vector<1024x136xf32>
      %select_n3A_384 = arith.select %and3A_381, %broadcast_in_dim3A_383, %select_n3A_361 : vector<1024x136xi1>, vector<1024x136xf32>
      %reduce_max3A_385 = arith.constant dense<0xFF800000> : vector<1024xf32>
      %reduce_max3A_386 = vector.multi_reduction <maximumf>, %select_n3A_384, %reduce_max3A_385 [1] : vector<1024x136xf32> to vector<1024xf32>
      %broadcast_in_dim3A_387 = vector.shape_cast %reduce_max3A_386 : vector<1024xf32> to vector<1024x1xf32>
      %eq3A_388 = vector.broadcast %broadcast_in_dim3A_387 : vector<1024x1xf32> to vector<1024x136xf32>
      %eq3A_389 = arith.cmpf oeq, %select_n3A_384, %eq3A_388 : vector<1024x136xf32>
      %jit3A_390 = arith.constant 2147483647 : i32
      %broadcast_in_dim3A_391 = vector.broadcast %jit3A_390 : i32 to vector<1024x136xi32>
      %select_n3A_392 = arith.select %eq3A_389, %concatenate3A_293, %broadcast_in_dim3A_391 : vector<1024x136xi1>, vector<1024x136xi32>
      %reduce_min3A_393 = arith.constant dense<2147483647> : vector<1024xi32>
      %reduce_min3A_394 = vector.multi_reduction <minsi>, %select_n3A_392, %reduce_min3A_393 [1] : vector<1024x136xi32> to vector<1024xi32>
      %broadcast_in_dim3A_395 = vector.shape_cast %reduce_min3A_394 : vector<1024xi32> to vector<1024x1xi32>
      %swap3A_396 = arith.constant 0 : index
      %swap3A_397 = arith.constant 4 : index
      %swap3A_398 = vector.load %arg7[%swap3A_396, %swap3A_397] : memref<1024x8xf32, #tpu.memory_space<vmem>>, vector<1024x1xf32>
      tpu.vector_store %arg7[%swap3A_396, %swap3A_397], %broadcast_in_dim3A_387 {strides = array<i32>} : memref<1024x8xf32, #tpu.memory_space<vmem>>, vector<1024x1xf32>,
      %swap3A_399 = arith.constant 0 : index
      %swap3A_400 = arith.constant 4 : index
      %swap3A_401 = vector.load %arg8[%swap3A_399, %swap3A_400] : memref<1024x8xi32, #tpu.memory_space<vmem>>, vector<1024x1xi32>
      tpu.vector_store %arg8[%swap3A_399, %swap3A_400], %broadcast_in_dim3A_395 {strides = array<i32>} : memref<1024x8xi32, #tpu.memory_space<vmem>>, vector<1024x1xi32>,
      %eq3A_402 = vector.broadcast %broadcast_in_dim3A_395 : vector<1024x1xi32> to vector<1024x136xi32>
      %eq3A_403 = arith.cmpi eq, %concatenate3A_293, %eq3A_402 : vector<1024x136xi32>
      %and3A_404 = arith.andi %eq3A_389, %eq3A_403 : vector<1024x136xi1>
      %jit3A_405 = arith.constant 0xFF800000 : f32
      %broadcast_in_dim3A_406 = vector.broadcast %jit3A_405 : f32 to vector<1024x136xf32>
      %select_n3A_407 = arith.select %and3A_404, %broadcast_in_dim3A_406, %select_n3A_384 : vector<1024x136xi1>, vector<1024x136xf32>
      %reduce_max3A_408 = arith.constant dense<0xFF800000> : vector<1024xf32>
      %reduce_max3A_409 = vector.multi_reduction <maximumf>, %select_n3A_407, %reduce_max3A_408 [1] : vector<1024x136xf32> to vector<1024xf32>
      %broadcast_in_dim3A_410 = vector.shape_cast %reduce_max3A_409 : vector<1024xf32> to vector<1024x1xf32>
      %eq3A_411 = vector.broadcast %broadcast_in_dim3A_410 : vector<1024x1xf32> to vector<1024x136xf32>
      %eq3A_412 = arith.cmpf oeq, %select_n3A_407, %eq3A_411 : vector<1024x136xf32>
      %jit3A_413 = arith.constant 2147483647 : i32
      %broadcast_in_dim3A_414 = vector.broadcast %jit3A_413 : i32 to vector<1024x136xi32>
      %select_n3A_415 = arith.select %eq3A_412, %concatenate3A_293, %broadcast_in_dim3A_414 : vector<1024x136xi1>, vector<1024x136xi32>
      %reduce_min3A_416 = arith.constant dense<2147483647> : vector<1024xi32>
      %reduce_min3A_417 = vector.multi_reduction <minsi>, %select_n3A_415, %reduce_min3A_416 [1] : vector<1024x136xi32> to vector<1024xi32>
      %broadcast_in_dim3A_418 = vector.shape_cast %reduce_min3A_417 : vector<1024xi32> to vector<1024x1xi32>
      %swap3A_419 = arith.constant 0 : index
      %swap3A_420 = arith.constant 5 : index
      %swap3A_421 = vector.load %arg7[%swap3A_419, %swap3A_420] : memref<1024x8xf32, #tpu.memory_space<vmem>>, vector<1024x1xf32>
      tpu.vector_store %arg7[%swap3A_419, %swap3A_420], %broadcast_in_dim3A_410 {strides = array<i32>} : memref<1024x8xf32, #tpu.memory_space<vmem>>, vector<1024x1xf32>,
      %swap3A_422 = arith.constant 0 : index
      %swap3A_423 = arith.constant 5 : index
      %swap3A_424 = vector.load %arg8[%swap3A_422, %swap3A_423] : memref<1024x8xi32, #tpu.memory_space<vmem>>, vector<1024x1xi32>
      tpu.vector_store %arg8[%swap3A_422, %swap3A_423], %broadcast_in_dim3A_418 {strides = array<i32>} : memref<1024x8xi32, #tpu.memory_space<vmem>>, vector<1024x1xi32>,
      %eq3A_425 = vector.broadcast %broadcast_in_dim3A_418 : vector<1024x1xi32> to vector<1024x136xi32>
      %eq3A_426 = arith.cmpi eq, %concatenate3A_293, %eq3A_425 : vector<1024x136xi32>
      %and3A_427 = arith.andi %eq3A_412, %eq3A_426 : vector<1024x136xi1>
      %jit3A_428 = arith.constant 0xFF800000 : f32
      %broadcast_in_dim3A_429 = vector.broadcast %jit3A_428 : f32 to vector<1024x136xf32>
      %select_n3A_430 = arith.select %and3A_427, %broadcast_in_dim3A_429, %select_n3A_407 : vector<1024x136xi1>, vector<1024x136xf32>
      %reduce_max3A_431 = arith.constant dense<0xFF800000> : vector<1024xf32>
      %reduce_max3A_432 = vector.multi_reduction <maximumf>, %select_n3A_430, %reduce_max3A_431 [1] : vector<1024x136xf32> to vector<1024xf32>
      %broadcast_in_dim3A_433 = vector.shape_cast %reduce_max3A_432 : vector<1024xf32> to vector<1024x1xf32>
      %eq3A_434 = vector.broadcast %broadcast_in_dim3A_433 : vector<1024x1xf32> to vector<1024x136xf32>
      %eq3A_435 = arith.cmpf oeq, %select_n3A_430, %eq3A_434 : vector<1024x136xf32>
      %jit3A_436 = arith.constant 2147483647 : i32
      %broadcast_in_dim3A_437 = vector.broadcast %jit3A_436 : i32 to vector<1024x136xi32>
      %select_n3A_438 = arith.select %eq3A_435, %concatenate3A_293, %broadcast_in_dim3A_437 : vector<1024x136xi1>, vector<1024x136xi32>
      %reduce_min3A_439 = arith.constant dense<2147483647> : vector<1024xi32>
      %reduce_min3A_440 = vector.multi_reduction <minsi>, %select_n3A_438, %reduce_min3A_439 [1] : vector<1024x136xi32> to vector<1024xi32>
      %broadcast_in_dim3A_441 = vector.shape_cast %reduce_min3A_440 : vector<1024xi32> to vector<1024x1xi32>
      %swap3A_442 = arith.constant 0 : index
      %swap3A_443 = arith.constant 6 : index
      %swap3A_444 = vector.load %arg7[%swap3A_442, %swap3A_443] : memref<1024x8xf32, #tpu.memory_space<vmem>>, vector<1024x1xf32>
      tpu.vector_store %arg7[%swap3A_442, %swap3A_443], %broadcast_in_dim3A_433 {strides = array<i32>} : memref<1024x8xf32, #tpu.memory_space<vmem>>, vector<1024x1xf32>,
      %swap3A_445 = arith.constant 0 : index
      %swap3A_446 = arith.constant 6 : index
      %swap3A_447 = vector.load %arg8[%swap3A_445, %swap3A_446] : memref<1024x8xi32, #tpu.memory_space<vmem>>, vector<1024x1xi32>
      tpu.vector_store %arg8[%swap3A_445, %swap3A_446], %broadcast_in_dim3A_441 {strides = array<i32>} : memref<1024x8xi32, #tpu.memory_space<vmem>>, vector<1024x1xi32>,
      %eq3A_448 = vector.broadcast %broadcast_in_dim3A_441 : vector<1024x1xi32> to vector<1024x136xi32>
      %eq3A_449 = arith.cmpi eq, %concatenate3A_293, %eq3A_448 : vector<1024x136xi32>
      %and3A_450 = arith.andi %eq3A_435, %eq3A_449 : vector<1024x136xi1>
      %jit3A_451 = arith.constant 0xFF800000 : f32
      %broadcast_in_dim3A_452 = vector.broadcast %jit3A_451 : f32 to vector<1024x136xf32>
      %select_n3A_453 = arith.select %and3A_450, %broadcast_in_dim3A_452, %select_n3A_430 : vector<1024x136xi1>, vector<1024x136xf32>
      %reduce_max3A_454 = arith.constant dense<0xFF800000> : vector<1024xf32>
      %reduce_max3A_455 = vector.multi_reduction <maximumf>, %select_n3A_453, %reduce_max3A_454 [1] : vector<1024x136xf32> to vector<1024xf32>
      %broadcast_in_dim3A_456 = vector.shape_cast %reduce_max3A_455 : vector<1024xf32> to vector<1024x1xf32>
      %eq3A_457 = vector.broadcast %broadcast_in_dim3A_456 : vector<1024x1xf32> to vector<1024x136xf32>
      %eq3A_458 = arith.cmpf oeq, %select_n3A_453, %eq3A_457 : vector<1024x136xf32>
      %jit3A_459 = arith.constant 2147483647 : i32
      %broadcast_in_dim3A_460 = vector.broadcast %jit3A_459 : i32 to vector<1024x136xi32>
      %select_n3A_461 = arith.select %eq3A_458, %concatenate3A_293, %broadcast_in_dim3A_460 : vector<1024x136xi1>, vector<1024x136xi32>
      %reduce_min3A_462 = arith.constant dense<2147483647> : vector<1024xi32>
      %reduce_min3A_463 = vector.multi_reduction <minsi>, %select_n3A_461, %reduce_min3A_462 [1] : vector<1024x136xi32> to vector<1024xi32>
      %broadcast_in_dim3A_464 = vector.shape_cast %reduce_min3A_463 : vector<1024xi32> to vector<1024x1xi32>
      %swap3A_465 = arith.constant 0 : index
      %swap3A_466 = arith.constant 7 : index
      %swap3A_467 = vector.load %arg7[%swap3A_465, %swap3A_466] : memref<1024x8xf32, #tpu.memory_space<vmem>>, vector<1024x1xf32>
      tpu.vector_store %arg7[%swap3A_465, %swap3A_466], %broadcast_in_dim3A_456 {strides = array<i32>} : memref<1024x8xf32, #tpu.memory_space<vmem>>, vector<1024x1xf32>,
      %swap3A_468 = arith.constant 0 : index
      %swap3A_469 = arith.constant 7 : index
      %swap3A_470 = vector.load %arg8[%swap3A_468, %swap3A_469] : memref<1024x8xi32, #tpu.memory_space<vmem>>, vector<1024x1xi32>
      tpu.vector_store %arg8[%swap3A_468, %swap3A_469], %broadcast_in_dim3A_464 {strides = array<i32>} : memref<1024x8xi32, #tpu.memory_space<vmem>>, vector<1024x1xi32>,
    } else {
    }
    %eq3A_216 = arith.constant 31 : i32
    %eq3A_217 = arith.cmpi eq, %arg1, %eq3A_216 : i32
    %convert_element_type3A_218 = arith.extui %eq3A_217 : i1 to i32
    %cond3A_219 = arith.constant 0 : i32
    %cond3A_220 = arith.cmpi ne, %convert_element_type3A_218, %cond3A_219 : i32
    scf.if %cond3A_220 {
      %iota3A = tpu.iota {dimensions = array<i32: 0>} : vector<1024x8xi32>
      %get3A_221 = arith.constant 0 : index
      %get3A_222 = arith.constant 0 : index
      %get3A_223 = vector.load %arg8[%get3A_221, %get3A_222] : memref<1024x8xi32, #tpu.memory_space<vmem>>, vector<1024x8xi32>
      %swap3A_224 = arith.constant 0 : index
      %swap3A_225 = arith.constant 0 : index
      %swap3A_226 = vector.load %arg5[%swap3A_224, %swap3A_225] : memref<1024x8xi32, #tpu.memory_space<vmem>>, vector<1024x8xi32>
      tpu.vector_store %arg5[%swap3A_224, %swap3A_225], %get3A_223 {strides = array<i32>} : memref<1024x8xi32, #tpu.memory_space<vmem>>, vector<1024x8xi32>,
      %mul3A = arith.constant 1024 : i32
      %mul3A_227 = arith.muli %arg0, %mul3A : i32
      %add3A_228 = vector.broadcast %mul3A_227 : i32 to vector<1024x8xi32>
      %add3A_229 = arith.addi %add3A_228, %iota3A : vector<1024x8xi32>
      %mul3A_230 = arith.constant 512 : i32
      %mul3A_231 = vector.broadcast %mul3A_230 : i32 to vector<1024x8xi32>
      %mul3A_232 = arith.muli %add3A_229, %mul3A_231 : vector<1024x8xi32>
      %add3A_233 = arith.addi %mul3A_232, %get3A_223 : vector<1024x8xi32>
      %swap3A_234 = arith.constant 0 : index
      %swap3A_235 = arith.constant 0 : index
      %swap3A_236 = vector.load %arg6[%swap3A_234, %swap3A_235] : memref<1024x8xi32, #tpu.memory_space<vmem>>, vector<1024x8xi32>
      tpu.vector_store %arg6[%swap3A_234, %swap3A_235], %add3A_233 {strides = array<i32>} : memref<1024x8xi32, #tpu.memory_space<vmem>>, vector<1024x8xi32>,
    } else {
    }
    return
  }
  func.func @transform_0(%arg0: i32, %arg1: i32) -> (i32, i32) {
    %c0_i32 = arith.constant 0 : i32
    %c0_i32_0 = arith.constant 0 : i32
    return %arg0, %c0_i32 : i32, i32
  }
  func.func @transform_1(%arg0: i32, %arg1: i32) -> (i32, i32) {
    %c0_i32 = arith.constant 0 : i32
    %c0_i32_0 = arith.constant 0 : i32
    return %arg1, %c0_i32 : i32, i32
  }
  func.func @transform_2(%arg0: i32, %arg1: i32) -> (i32, i32, i32) {
    %c0_i32 = arith.constant 0 : i32
    %c0_i32_0 = arith.constant 0 : i32
    return %arg0, %arg1, %c0_i32 : i32, i32, i32
  }
  func.func @transform_3(%arg0: i32, %arg1: i32) -> (i32, i32) {
    %c0_i32 = arith.constant 0 : i32
    %c0_i32_0 = arith.constant 0 : i32
    return %arg0, %c0_i32 : i32, i32
  }
  func.func @transform_4(%arg0: i32, %arg1: i32) -> (i32, i32) {
    %c0_i32 = arith.constant 0 : i32
    %c0_i32_0 = arith.constant 0 : i32
    return %arg0, %c0_i32 : i32, i32
  }
}

module attributes {stable_mosaic.version = 14 : i64} {
  func.func @_select_body(%arg0: i32, %arg1: memref<1024x128xf32, #tpu.memory_space<vmem>>, %arg2: memref<1024x128xf32, #tpu.memory_space<vmem>>, %arg3: memref<1024x128xf32, #tpu.memory_space<vmem>>, %arg4: memref<1024x128xf32, #tpu.memory_space<vmem>>, %arg5: memref<1024x128xf32, #tpu.memory_space<vmem>>, %arg6: memref<1024x128xf32, #tpu.memory_space<vmem>>, %arg7: memref<1024x128xf32, #tpu.memory_space<vmem>>, %arg8: memref<1024x128xf32, #tpu.memory_space<vmem>>, %arg9: memref<1024x8xi32, #tpu.memory_space<vmem>>, %arg10: memref<1024x8xi32, #tpu.memory_space<vmem>>, %arg11: memref<1024x8xf32, #tpu.memory_space<vmem>>, %arg12: memref<1024x1xf32, #tpu.memory_space<vmem>>) attributes {dimension_semantics = [#tpu.dimension_semantics<parallel>], iteration_bounds = array<i64: 4>, scalar_prefetch = 0 : i64, scratch_operands = 0 : i64, tpu.core_type = #tpu.core_type<tc>, window_params = [{transform_indices = @transform_0, window_bounds = array<i64: 1024, 128>}, {transform_indices = @transform_1, window_bounds = array<i64: 1024, 128>}, {transform_indices = @transform_2, window_bounds = array<i64: 1024, 128>}, {transform_indices = @transform_3, window_bounds = array<i64: 1024, 128>}, {transform_indices = @transform_4, window_bounds = array<i64: 1024, 128>}, {transform_indices = @transform_5, window_bounds = array<i64: 1024, 128>}, {transform_indices = @transform_6, window_bounds = array<i64: 1024, 128>}, {transform_indices = @transform_7, window_bounds = array<i64: 1024, 128>}, {transform_indices = @transform_8, window_bounds = array<i64: 1024, 8>}, {transform_indices = @transform_9, window_bounds = array<i64: 1024, 8>}, {transform_indices = @transform_10, window_bounds = array<i64: 1024, 8>}, {transform_indices = @transform_11, window_bounds = array<i64: 1024, 1>}]} {
    %iota3A = tpu.iota {dimensions = array<i32: 1>} : vector<1024x1024xi32>
    %iota3A_0 = tpu.iota {dimensions = array<i32: 1>} : vector<1024x128xi32>
    %get3A = arith.constant 0 : index
    %get3A_1 = arith.constant 0 : index
    %get3A_2 = vector.load %arg9[%get3A, %get3A_1] : memref<1024x8xi32, #tpu.memory_space<vmem>>, vector<1024x1xi32>
    %mul3A = arith.constant 128 : i32
    %mul3A_3 = vector.broadcast %mul3A : i32 to vector<1024x1xi32>
    %mul3A_4 = arith.muli %get3A_2, %mul3A_3 : vector<1024x1xi32>
    %add3A = vector.broadcast %mul3A_4 : vector<1024x1xi32> to vector<1024x128xi32>
    %add3A_5 = arith.addi %add3A, %iota3A_0 : vector<1024x128xi32>
    %get3A_6 = arith.constant 0 : index
    %get3A_7 = arith.constant 1 : index
    %get3A_8 = vector.load %arg9[%get3A_6, %get3A_7] : memref<1024x8xi32, #tpu.memory_space<vmem>>, vector<1024x1xi32>
    %mul3A_9 = arith.constant 128 : i32
    %mul3A_10 = vector.broadcast %mul3A_9 : i32 to vector<1024x1xi32>
    %mul3A_11 = arith.muli %get3A_8, %mul3A_10 : vector<1024x1xi32>
    %add3A_12 = vector.broadcast %mul3A_11 : vector<1024x1xi32> to vector<1024x128xi32>
    %add3A_13 = arith.addi %add3A_12, %iota3A_0 : vector<1024x128xi32>
    %get3A_14 = arith.constant 0 : index
    %get3A_15 = arith.constant 2 : index
    %get3A_16 = vector.load %arg9[%get3A_14, %get3A_15] : memref<1024x8xi32, #tpu.memory_space<vmem>>, vector<1024x1xi32>
    %mul3A_17 = arith.constant 128 : i32
    %mul3A_18 = vector.broadcast %mul3A_17 : i32 to vector<1024x1xi32>
    %mul3A_19 = arith.muli %get3A_16, %mul3A_18 : vector<1024x1xi32>
    %add3A_20 = vector.broadcast %mul3A_19 : vector<1024x1xi32> to vector<1024x128xi32>
    %add3A_21 = arith.addi %add3A_20, %iota3A_0 : vector<1024x128xi32>
    %get3A_22 = arith.constant 0 : index
    %get3A_23 = arith.constant 3 : index
    %get3A_24 = vector.load %arg9[%get3A_22, %get3A_23] : memref<1024x8xi32, #tpu.memory_space<vmem>>, vector<1024x1xi32>
    %mul3A_25 = arith.constant 128 : i32
    %mul3A_26 = vector.broadcast %mul3A_25 : i32 to vector<1024x1xi32>
    %mul3A_27 = arith.muli %get3A_24, %mul3A_26 : vector<1024x1xi32>
    %add3A_28 = vector.broadcast %mul3A_27 : vector<1024x1xi32> to vector<1024x128xi32>
    %add3A_29 = arith.addi %add3A_28, %iota3A_0 : vector<1024x128xi32>
    %get3A_30 = arith.constant 0 : index
    %get3A_31 = arith.constant 4 : index
    %get3A_32 = vector.load %arg9[%get3A_30, %get3A_31] : memref<1024x8xi32, #tpu.memory_space<vmem>>, vector<1024x1xi32>
    %mul3A_33 = arith.constant 128 : i32
    %mul3A_34 = vector.broadcast %mul3A_33 : i32 to vector<1024x1xi32>
    %mul3A_35 = arith.muli %get3A_32, %mul3A_34 : vector<1024x1xi32>
    %add3A_36 = vector.broadcast %mul3A_35 : vector<1024x1xi32> to vector<1024x128xi32>
    %add3A_37 = arith.addi %add3A_36, %iota3A_0 : vector<1024x128xi32>
    %get3A_38 = arith.constant 0 : index
    %get3A_39 = arith.constant 5 : index
    %get3A_40 = vector.load %arg9[%get3A_38, %get3A_39] : memref<1024x8xi32, #tpu.memory_space<vmem>>, vector<1024x1xi32>
    %mul3A_41 = arith.constant 128 : i32
    %mul3A_42 = vector.broadcast %mul3A_41 : i32 to vector<1024x1xi32>
    %mul3A_43 = arith.muli %get3A_40, %mul3A_42 : vector<1024x1xi32>
    %add3A_44 = vector.broadcast %mul3A_43 : vector<1024x1xi32> to vector<1024x128xi32>
    %add3A_45 = arith.addi %add3A_44, %iota3A_0 : vector<1024x128xi32>
    %get3A_46 = arith.constant 0 : index
    %get3A_47 = arith.constant 6 : index
    %get3A_48 = vector.load %arg9[%get3A_46, %get3A_47] : memref<1024x8xi32, #tpu.memory_space<vmem>>, vector<1024x1xi32>
    %mul3A_49 = arith.constant 128 : i32
    %mul3A_50 = vector.broadcast %mul3A_49 : i32 to vector<1024x1xi32>
    %mul3A_51 = arith.muli %get3A_48, %mul3A_50 : vector<1024x1xi32>
    %add3A_52 = vector.broadcast %mul3A_51 : vector<1024x1xi32> to vector<1024x128xi32>
    %add3A_53 = arith.addi %add3A_52, %iota3A_0 : vector<1024x128xi32>
    %get3A_54 = arith.constant 0 : index
    %get3A_55 = arith.constant 7 : index
    %get3A_56 = vector.load %arg9[%get3A_54, %get3A_55] : memref<1024x8xi32, #tpu.memory_space<vmem>>, vector<1024x1xi32>
    %mul3A_57 = arith.constant 128 : i32
    %mul3A_58 = vector.broadcast %mul3A_57 : i32 to vector<1024x1xi32>
    %mul3A_59 = arith.muli %get3A_56, %mul3A_58 : vector<1024x1xi32>
    %add3A_60 = vector.broadcast %mul3A_59 : vector<1024x1xi32> to vector<1024x128xi32>
    %add3A_61 = arith.addi %add3A_60, %iota3A_0 : vector<1024x128xi32>
    %concatenate3A = tpu.concatenate %add3A_5, %add3A_13, %add3A_21, %add3A_29, %add3A_37, %add3A_45, %add3A_53, %add3A_61 in 1 : vector<1024x128xi32>, vector<1024x128xi32>, vector<1024x128xi32>, vector<1024x128xi32>, vector<1024x128xi32>, vector<1024x128xi32>, vector<1024x128xi32>, vector<1024x128xi32> -> vector<1024x1024xi32>
    %get3A_62 = arith.constant 0 : index
    %get3A_63 = arith.constant 0 : index
    %get3A_64 = vector.load %arg1[%get3A_62, %get3A_63] : memref<1024x128xf32, #tpu.memory_space<vmem>>, vector<1024x128xf32>
    %get3A_65 = arith.constant 0 : index
    %get3A_66 = arith.constant 0 : index
    %get3A_67 = vector.load %arg2[%get3A_65, %get3A_66] : memref<1024x128xf32, #tpu.memory_space<vmem>>, vector<1024x128xf32>
    %get3A_68 = arith.constant 0 : index
    %get3A_69 = arith.constant 0 : index
    %get3A_70 = vector.load %arg3[%get3A_68, %get3A_69] : memref<1024x128xf32, #tpu.memory_space<vmem>>, vector<1024x128xf32>
    %get3A_71 = arith.constant 0 : index
    %get3A_72 = arith.constant 0 : index
    %get3A_73 = vector.load %arg4[%get3A_71, %get3A_72] : memref<1024x128xf32, #tpu.memory_space<vmem>>, vector<1024x128xf32>
    %get3A_74 = arith.constant 0 : index
    %get3A_75 = arith.constant 0 : index
    %get3A_76 = vector.load %arg5[%get3A_74, %get3A_75] : memref<1024x128xf32, #tpu.memory_space<vmem>>, vector<1024x128xf32>
    %get3A_77 = arith.constant 0 : index
    %get3A_78 = arith.constant 0 : index
    %get3A_79 = vector.load %arg6[%get3A_77, %get3A_78] : memref<1024x128xf32, #tpu.memory_space<vmem>>, vector<1024x128xf32>
    %get3A_80 = arith.constant 0 : index
    %get3A_81 = arith.constant 0 : index
    %get3A_82 = vector.load %arg7[%get3A_80, %get3A_81] : memref<1024x128xf32, #tpu.memory_space<vmem>>, vector<1024x128xf32>
    %get3A_83 = arith.constant 0 : index
    %get3A_84 = arith.constant 0 : index
    %get3A_85 = vector.load %arg8[%get3A_83, %get3A_84] : memref<1024x128xf32, #tpu.memory_space<vmem>>, vector<1024x128xf32>
    %concatenate3A_86 = tpu.concatenate %get3A_64, %get3A_67, %get3A_70, %get3A_73, %get3A_76, %get3A_79, %get3A_82, %get3A_85 in 1 : vector<1024x128xf32>, vector<1024x128xf32>, vector<1024x128xf32>, vector<1024x128xf32>, vector<1024x128xf32>, vector<1024x128xf32>, vector<1024x128xf32>, vector<1024x128xf32> -> vector<1024x1024xf32>
    %reduce_max3A = arith.constant dense<0xFF800000> : vector<1024xf32>
    %reduce_max3A_87 = vector.multi_reduction <maximumf>, %concatenate3A_86, %reduce_max3A [1] : vector<1024x1024xf32> to vector<1024xf32>
    %broadcast_in_dim3A = vector.shape_cast %reduce_max3A_87 : vector<1024xf32> to vector<1024x1xf32>
    %eq3A = vector.broadcast %broadcast_in_dim3A : vector<1024x1xf32> to vector<1024x1024xf32>
    %eq3A_88 = arith.cmpf oeq, %concatenate3A_86, %eq3A : vector<1024x1024xf32>
    %jit3A = arith.constant 1024 : i32
    %broadcast_in_dim3A_89 = vector.broadcast %jit3A : i32 to vector<1024x1024xi32>
    %select_n3A = arith.select %eq3A_88, %iota3A, %broadcast_in_dim3A_89 : vector<1024x1024xi1>, vector<1024x1024xi32>
    %reduce_min3A = arith.constant dense<2147483647> : vector<1024xi32>
    %reduce_min3A_90 = vector.multi_reduction <minsi>, %select_n3A, %reduce_min3A [1] : vector<1024x1024xi32> to vector<1024xi32>
    %broadcast_in_dim3A_91 = vector.shape_cast %reduce_min3A_90 : vector<1024xi32> to vector<1024x1xi32>
    %eq3A_92 = vector.broadcast %broadcast_in_dim3A_91 : vector<1024x1xi32> to vector<1024x1024xi32>
    %eq3A_93 = arith.cmpi eq, %iota3A, %eq3A_92 : vector<1024x1024xi32>
    %jit3A_94 = arith.constant 2147483647 : i32
    %broadcast_in_dim3A_95 = vector.broadcast %jit3A_94 : i32 to vector<1024x1024xi32>
    %select_n3A_96 = arith.select %eq3A_93, %concatenate3A, %broadcast_in_dim3A_95 : vector<1024x1024xi1>, vector<1024x1024xi32>
    %reduce_min3A_97 = arith.constant dense<2147483647> : vector<1024xi32>
    %reduce_min3A_98 = vector.multi_reduction <minsi>, %select_n3A_96, %reduce_min3A_97 [1] : vector<1024x1024xi32> to vector<1024xi32>
    %broadcast_in_dim3A_99 = vector.shape_cast %reduce_min3A_98 : vector<1024xi32> to vector<1024x1xi32>
    %jit3A_100 = arith.constant 0xFF800000 : f32
    %broadcast_in_dim3A_101 = vector.broadcast %jit3A_100 : f32 to vector<1024x1024xf32>
    %select_n3A_102 = arith.select %eq3A_93, %broadcast_in_dim3A_101, %concatenate3A_86 : vector<1024x1024xi1>, vector<1024x1024xf32>
    %reduce_max3A_103 = arith.constant dense<0xFF800000> : vector<1024xf32>
    %reduce_max3A_104 = vector.multi_reduction <maximumf>, %select_n3A_102, %reduce_max3A_103 [1] : vector<1024x1024xf32> to vector<1024xf32>
    %broadcast_in_dim3A_105 = vector.shape_cast %reduce_max3A_104 : vector<1024xf32> to vector<1024x1xf32>
    %eq3A_106 = vector.broadcast %broadcast_in_dim3A_105 : vector<1024x1xf32> to vector<1024x1024xf32>
    %eq3A_107 = arith.cmpf oeq, %select_n3A_102, %eq3A_106 : vector<1024x1024xf32>
    %jit3A_108 = arith.constant 1024 : i32
    %broadcast_in_dim3A_109 = vector.broadcast %jit3A_108 : i32 to vector<1024x1024xi32>
    %select_n3A_110 = arith.select %eq3A_107, %iota3A, %broadcast_in_dim3A_109 : vector<1024x1024xi1>, vector<1024x1024xi32>
    %reduce_min3A_111 = arith.constant dense<2147483647> : vector<1024xi32>
    %reduce_min3A_112 = vector.multi_reduction <minsi>, %select_n3A_110, %reduce_min3A_111 [1] : vector<1024x1024xi32> to vector<1024xi32>
    %broadcast_in_dim3A_113 = vector.shape_cast %reduce_min3A_112 : vector<1024xi32> to vector<1024x1xi32>
    %eq3A_114 = vector.broadcast %broadcast_in_dim3A_113 : vector<1024x1xi32> to vector<1024x1024xi32>
    %eq3A_115 = arith.cmpi eq, %iota3A, %eq3A_114 : vector<1024x1024xi32>
    %jit3A_116 = arith.constant 2147483647 : i32
    %broadcast_in_dim3A_117 = vector.broadcast %jit3A_116 : i32 to vector<1024x1024xi32>
    %select_n3A_118 = arith.select %eq3A_115, %concatenate3A, %broadcast_in_dim3A_117 : vector<1024x1024xi1>, vector<1024x1024xi32>
    %reduce_min3A_119 = arith.constant dense<2147483647> : vector<1024xi32>
    %reduce_min3A_120 = vector.multi_reduction <minsi>, %select_n3A_118, %reduce_min3A_119 [1] : vector<1024x1024xi32> to vector<1024xi32>
    %broadcast_in_dim3A_121 = vector.shape_cast %reduce_min3A_120 : vector<1024xi32> to vector<1024x1xi32>
    %jit3A_122 = arith.constant 0xFF800000 : f32
    %broadcast_in_dim3A_123 = vector.broadcast %jit3A_122 : f32 to vector<1024x1024xf32>
    %select_n3A_124 = arith.select %eq3A_115, %broadcast_in_dim3A_123, %select_n3A_102 : vector<1024x1024xi1>, vector<1024x1024xf32>
    %reduce_max3A_125 = arith.constant dense<0xFF800000> : vector<1024xf32>
    %reduce_max3A_126 = vector.multi_reduction <maximumf>, %select_n3A_124, %reduce_max3A_125 [1] : vector<1024x1024xf32> to vector<1024xf32>
    %broadcast_in_dim3A_127 = vector.shape_cast %reduce_max3A_126 : vector<1024xf32> to vector<1024x1xf32>
    %eq3A_128 = vector.broadcast %broadcast_in_dim3A_127 : vector<1024x1xf32> to vector<1024x1024xf32>
    %eq3A_129 = arith.cmpf oeq, %select_n3A_124, %eq3A_128 : vector<1024x1024xf32>
    %jit3A_130 = arith.constant 1024 : i32
    %broadcast_in_dim3A_131 = vector.broadcast %jit3A_130 : i32 to vector<1024x1024xi32>
    %select_n3A_132 = arith.select %eq3A_129, %iota3A, %broadcast_in_dim3A_131 : vector<1024x1024xi1>, vector<1024x1024xi32>
    %reduce_min3A_133 = arith.constant dense<2147483647> : vector<1024xi32>
    %reduce_min3A_134 = vector.multi_reduction <minsi>, %select_n3A_132, %reduce_min3A_133 [1] : vector<1024x1024xi32> to vector<1024xi32>
    %broadcast_in_dim3A_135 = vector.shape_cast %reduce_min3A_134 : vector<1024xi32> to vector<1024x1xi32>
    %eq3A_136 = vector.broadcast %broadcast_in_dim3A_135 : vector<1024x1xi32> to vector<1024x1024xi32>
    %eq3A_137 = arith.cmpi eq, %iota3A, %eq3A_136 : vector<1024x1024xi32>
    %jit3A_138 = arith.constant 2147483647 : i32
    %broadcast_in_dim3A_139 = vector.broadcast %jit3A_138 : i32 to vector<1024x1024xi32>
    %select_n3A_140 = arith.select %eq3A_137, %concatenate3A, %broadcast_in_dim3A_139 : vector<1024x1024xi1>, vector<1024x1024xi32>
    %reduce_min3A_141 = arith.constant dense<2147483647> : vector<1024xi32>
    %reduce_min3A_142 = vector.multi_reduction <minsi>, %select_n3A_140, %reduce_min3A_141 [1] : vector<1024x1024xi32> to vector<1024xi32>
    %broadcast_in_dim3A_143 = vector.shape_cast %reduce_min3A_142 : vector<1024xi32> to vector<1024x1xi32>
    %jit3A_144 = arith.constant 0xFF800000 : f32
    %broadcast_in_dim3A_145 = vector.broadcast %jit3A_144 : f32 to vector<1024x1024xf32>
    %select_n3A_146 = arith.select %eq3A_137, %broadcast_in_dim3A_145, %select_n3A_124 : vector<1024x1024xi1>, vector<1024x1024xf32>
    %reduce_max3A_147 = arith.constant dense<0xFF800000> : vector<1024xf32>
    %reduce_max3A_148 = vector.multi_reduction <maximumf>, %select_n3A_146, %reduce_max3A_147 [1] : vector<1024x1024xf32> to vector<1024xf32>
    %broadcast_in_dim3A_149 = vector.shape_cast %reduce_max3A_148 : vector<1024xf32> to vector<1024x1xf32>
    %eq3A_150 = vector.broadcast %broadcast_in_dim3A_149 : vector<1024x1xf32> to vector<1024x1024xf32>
    %eq3A_151 = arith.cmpf oeq, %select_n3A_146, %eq3A_150 : vector<1024x1024xf32>
    %jit3A_152 = arith.constant 1024 : i32
    %broadcast_in_dim3A_153 = vector.broadcast %jit3A_152 : i32 to vector<1024x1024xi32>
    %select_n3A_154 = arith.select %eq3A_151, %iota3A, %broadcast_in_dim3A_153 : vector<1024x1024xi1>, vector<1024x1024xi32>
    %reduce_min3A_155 = arith.constant dense<2147483647> : vector<1024xi32>
    %reduce_min3A_156 = vector.multi_reduction <minsi>, %select_n3A_154, %reduce_min3A_155 [1] : vector<1024x1024xi32> to vector<1024xi32>
    %broadcast_in_dim3A_157 = vector.shape_cast %reduce_min3A_156 : vector<1024xi32> to vector<1024x1xi32>
    %eq3A_158 = vector.broadcast %broadcast_in_dim3A_157 : vector<1024x1xi32> to vector<1024x1024xi32>
    %eq3A_159 = arith.cmpi eq, %iota3A, %eq3A_158 : vector<1024x1024xi32>
    %jit3A_160 = arith.constant 2147483647 : i32
    %broadcast_in_dim3A_161 = vector.broadcast %jit3A_160 : i32 to vector<1024x1024xi32>
    %select_n3A_162 = arith.select %eq3A_159, %concatenate3A, %broadcast_in_dim3A_161 : vector<1024x1024xi1>, vector<1024x1024xi32>
    %reduce_min3A_163 = arith.constant dense<2147483647> : vector<1024xi32>
    %reduce_min3A_164 = vector.multi_reduction <minsi>, %select_n3A_162, %reduce_min3A_163 [1] : vector<1024x1024xi32> to vector<1024xi32>
    %broadcast_in_dim3A_165 = vector.shape_cast %reduce_min3A_164 : vector<1024xi32> to vector<1024x1xi32>
    %jit3A_166 = arith.constant 0xFF800000 : f32
    %broadcast_in_dim3A_167 = vector.broadcast %jit3A_166 : f32 to vector<1024x1024xf32>
    %select_n3A_168 = arith.select %eq3A_159, %broadcast_in_dim3A_167, %select_n3A_146 : vector<1024x1024xi1>, vector<1024x1024xf32>
    %reduce_max3A_169 = arith.constant dense<0xFF800000> : vector<1024xf32>
    %reduce_max3A_170 = vector.multi_reduction <maximumf>, %select_n3A_168, %reduce_max3A_169 [1] : vector<1024x1024xf32> to vector<1024xf32>
    %broadcast_in_dim3A_171 = vector.shape_cast %reduce_max3A_170 : vector<1024xf32> to vector<1024x1xf32>
    %eq3A_172 = vector.broadcast %broadcast_in_dim3A_171 : vector<1024x1xf32> to vector<1024x1024xf32>
    %eq3A_173 = arith.cmpf oeq, %select_n3A_168, %eq3A_172 : vector<1024x1024xf32>
    %jit3A_174 = arith.constant 1024 : i32
    %broadcast_in_dim3A_175 = vector.broadcast %jit3A_174 : i32 to vector<1024x1024xi32>
    %select_n3A_176 = arith.select %eq3A_173, %iota3A, %broadcast_in_dim3A_175 : vector<1024x1024xi1>, vector<1024x1024xi32>
    %reduce_min3A_177 = arith.constant dense<2147483647> : vector<1024xi32>
    %reduce_min3A_178 = vector.multi_reduction <minsi>, %select_n3A_176, %reduce_min3A_177 [1] : vector<1024x1024xi32> to vector<1024xi32>
    %broadcast_in_dim3A_179 = vector.shape_cast %reduce_min3A_178 : vector<1024xi32> to vector<1024x1xi32>
    %eq3A_180 = vector.broadcast %broadcast_in_dim3A_179 : vector<1024x1xi32> to vector<1024x1024xi32>
    %eq3A_181 = arith.cmpi eq, %iota3A, %eq3A_180 : vector<1024x1024xi32>
    %jit3A_182 = arith.constant 2147483647 : i32
    %broadcast_in_dim3A_183 = vector.broadcast %jit3A_182 : i32 to vector<1024x1024xi32>
    %select_n3A_184 = arith.select %eq3A_181, %concatenate3A, %broadcast_in_dim3A_183 : vector<1024x1024xi1>, vector<1024x1024xi32>
    %reduce_min3A_185 = arith.constant dense<2147483647> : vector<1024xi32>
    %reduce_min3A_186 = vector.multi_reduction <minsi>, %select_n3A_184, %reduce_min3A_185 [1] : vector<1024x1024xi32> to vector<1024xi32>
    %broadcast_in_dim3A_187 = vector.shape_cast %reduce_min3A_186 : vector<1024xi32> to vector<1024x1xi32>
    %jit3A_188 = arith.constant 0xFF800000 : f32
    %broadcast_in_dim3A_189 = vector.broadcast %jit3A_188 : f32 to vector<1024x1024xf32>
    %select_n3A_190 = arith.select %eq3A_181, %broadcast_in_dim3A_189, %select_n3A_168 : vector<1024x1024xi1>, vector<1024x1024xf32>
    %reduce_max3A_191 = arith.constant dense<0xFF800000> : vector<1024xf32>
    %reduce_max3A_192 = vector.multi_reduction <maximumf>, %select_n3A_190, %reduce_max3A_191 [1] : vector<1024x1024xf32> to vector<1024xf32>
    %broadcast_in_dim3A_193 = vector.shape_cast %reduce_max3A_192 : vector<1024xf32> to vector<1024x1xf32>
    %eq3A_194 = vector.broadcast %broadcast_in_dim3A_193 : vector<1024x1xf32> to vector<1024x1024xf32>
    %eq3A_195 = arith.cmpf oeq, %select_n3A_190, %eq3A_194 : vector<1024x1024xf32>
    %jit3A_196 = arith.constant 1024 : i32
    %broadcast_in_dim3A_197 = vector.broadcast %jit3A_196 : i32 to vector<1024x1024xi32>
    %select_n3A_198 = arith.select %eq3A_195, %iota3A, %broadcast_in_dim3A_197 : vector<1024x1024xi1>, vector<1024x1024xi32>
    %reduce_min3A_199 = arith.constant dense<2147483647> : vector<1024xi32>
    %reduce_min3A_200 = vector.multi_reduction <minsi>, %select_n3A_198, %reduce_min3A_199 [1] : vector<1024x1024xi32> to vector<1024xi32>
    %broadcast_in_dim3A_201 = vector.shape_cast %reduce_min3A_200 : vector<1024xi32> to vector<1024x1xi32>
    %eq3A_202 = vector.broadcast %broadcast_in_dim3A_201 : vector<1024x1xi32> to vector<1024x1024xi32>
    %eq3A_203 = arith.cmpi eq, %iota3A, %eq3A_202 : vector<1024x1024xi32>
    %jit3A_204 = arith.constant 2147483647 : i32
    %broadcast_in_dim3A_205 = vector.broadcast %jit3A_204 : i32 to vector<1024x1024xi32>
    %select_n3A_206 = arith.select %eq3A_203, %concatenate3A, %broadcast_in_dim3A_205 : vector<1024x1024xi1>, vector<1024x1024xi32>
    %reduce_min3A_207 = arith.constant dense<2147483647> : vector<1024xi32>
    %reduce_min3A_208 = vector.multi_reduction <minsi>, %select_n3A_206, %reduce_min3A_207 [1] : vector<1024x1024xi32> to vector<1024xi32>
    %broadcast_in_dim3A_209 = vector.shape_cast %reduce_min3A_208 : vector<1024xi32> to vector<1024x1xi32>
    %jit3A_210 = arith.constant 0xFF800000 : f32
    %broadcast_in_dim3A_211 = vector.broadcast %jit3A_210 : f32 to vector<1024x1024xf32>
    %select_n3A_212 = arith.select %eq3A_203, %broadcast_in_dim3A_211, %select_n3A_190 : vector<1024x1024xi1>, vector<1024x1024xf32>
    %reduce_max3A_213 = arith.constant dense<0xFF800000> : vector<1024xf32>
    %reduce_max3A_214 = vector.multi_reduction <maximumf>, %select_n3A_212, %reduce_max3A_213 [1] : vector<1024x1024xf32> to vector<1024xf32>
    %broadcast_in_dim3A_215 = vector.shape_cast %reduce_max3A_214 : vector<1024xf32> to vector<1024x1xf32>
    %eq3A_216 = vector.broadcast %broadcast_in_dim3A_215 : vector<1024x1xf32> to vector<1024x1024xf32>
    %eq3A_217 = arith.cmpf oeq, %select_n3A_212, %eq3A_216 : vector<1024x1024xf32>
    %jit3A_218 = arith.constant 1024 : i32
    %broadcast_in_dim3A_219 = vector.broadcast %jit3A_218 : i32 to vector<1024x1024xi32>
    %select_n3A_220 = arith.select %eq3A_217, %iota3A, %broadcast_in_dim3A_219 : vector<1024x1024xi1>, vector<1024x1024xi32>
    %reduce_min3A_221 = arith.constant dense<2147483647> : vector<1024xi32>
    %reduce_min3A_222 = vector.multi_reduction <minsi>, %select_n3A_220, %reduce_min3A_221 [1] : vector<1024x1024xi32> to vector<1024xi32>
    %broadcast_in_dim3A_223 = vector.shape_cast %reduce_min3A_222 : vector<1024xi32> to vector<1024x1xi32>
    %eq3A_224 = vector.broadcast %broadcast_in_dim3A_223 : vector<1024x1xi32> to vector<1024x1024xi32>
    %eq3A_225 = arith.cmpi eq, %iota3A, %eq3A_224 : vector<1024x1024xi32>
    %jit3A_226 = arith.constant 2147483647 : i32
    %broadcast_in_dim3A_227 = vector.broadcast %jit3A_226 : i32 to vector<1024x1024xi32>
    %select_n3A_228 = arith.select %eq3A_225, %concatenate3A, %broadcast_in_dim3A_227 : vector<1024x1024xi1>, vector<1024x1024xi32>
    %reduce_min3A_229 = arith.constant dense<2147483647> : vector<1024xi32>
    %reduce_min3A_230 = vector.multi_reduction <minsi>, %select_n3A_228, %reduce_min3A_229 [1] : vector<1024x1024xi32> to vector<1024xi32>
    %broadcast_in_dim3A_231 = vector.shape_cast %reduce_min3A_230 : vector<1024xi32> to vector<1024x1xi32>
    %jit3A_232 = arith.constant 0xFF800000 : f32
    %broadcast_in_dim3A_233 = vector.broadcast %jit3A_232 : f32 to vector<1024x1024xf32>
    %select_n3A_234 = arith.select %eq3A_225, %broadcast_in_dim3A_233, %select_n3A_212 : vector<1024x1024xi1>, vector<1024x1024xf32>
    %reduce_max3A_235 = arith.constant dense<0xFF800000> : vector<1024xf32>
    %reduce_max3A_236 = vector.multi_reduction <maximumf>, %select_n3A_234, %reduce_max3A_235 [1] : vector<1024x1024xf32> to vector<1024xf32>
    %broadcast_in_dim3A_237 = vector.shape_cast %reduce_max3A_236 : vector<1024xf32> to vector<1024x1xf32>
    %eq3A_238 = vector.broadcast %broadcast_in_dim3A_237 : vector<1024x1xf32> to vector<1024x1024xf32>
    %eq3A_239 = arith.cmpf oeq, %select_n3A_234, %eq3A_238 : vector<1024x1024xf32>
    %jit3A_240 = arith.constant 1024 : i32
    %broadcast_in_dim3A_241 = vector.broadcast %jit3A_240 : i32 to vector<1024x1024xi32>
    %select_n3A_242 = arith.select %eq3A_239, %iota3A, %broadcast_in_dim3A_241 : vector<1024x1024xi1>, vector<1024x1024xi32>
    %reduce_min3A_243 = arith.constant dense<2147483647> : vector<1024xi32>
    %reduce_min3A_244 = vector.multi_reduction <minsi>, %select_n3A_242, %reduce_min3A_243 [1] : vector<1024x1024xi32> to vector<1024xi32>
    %broadcast_in_dim3A_245 = vector.shape_cast %reduce_min3A_244 : vector<1024xi32> to vector<1024x1xi32>
    %eq3A_246 = vector.broadcast %broadcast_in_dim3A_245 : vector<1024x1xi32> to vector<1024x1024xi32>
    %eq3A_247 = arith.cmpi eq, %iota3A, %eq3A_246 : vector<1024x1024xi32>
    %jit3A_248 = arith.constant 2147483647 : i32
    %broadcast_in_dim3A_249 = vector.broadcast %jit3A_248 : i32 to vector<1024x1024xi32>
    %select_n3A_250 = arith.select %eq3A_247, %concatenate3A, %broadcast_in_dim3A_249 : vector<1024x1024xi1>, vector<1024x1024xi32>
    %reduce_min3A_251 = arith.constant dense<2147483647> : vector<1024xi32>
    %reduce_min3A_252 = vector.multi_reduction <minsi>, %select_n3A_250, %reduce_min3A_251 [1] : vector<1024x1024xi32> to vector<1024xi32>
    %broadcast_in_dim3A_253 = vector.shape_cast %reduce_min3A_252 : vector<1024xi32> to vector<1024x1xi32>
    %concatenate3A_254 = tpu.concatenate %broadcast_in_dim3A, %broadcast_in_dim3A_105, %broadcast_in_dim3A_127, %broadcast_in_dim3A_149, %broadcast_in_dim3A_171, %broadcast_in_dim3A_193, %broadcast_in_dim3A_215, %broadcast_in_dim3A_237 in 1 : vector<1024x1xf32>, vector<1024x1xf32>, vector<1024x1xf32>, vector<1024x1xf32>, vector<1024x1xf32>, vector<1024x1xf32>, vector<1024x1xf32>, vector<1024x1xf32> -> vector<1024x8xf32>
    %concatenate3A_255 = tpu.concatenate %broadcast_in_dim3A_99, %broadcast_in_dim3A_121, %broadcast_in_dim3A_143, %broadcast_in_dim3A_165, %broadcast_in_dim3A_187, %broadcast_in_dim3A_209, %broadcast_in_dim3A_231, %broadcast_in_dim3A_253 in 1 : vector<1024x1xi32>, vector<1024x1xi32>, vector<1024x1xi32>, vector<1024x1xi32>, vector<1024x1xi32>, vector<1024x1xi32>, vector<1024x1xi32>, vector<1024x1xi32> -> vector<1024x8xi32>
    %swap3A = arith.constant 0 : index
    %swap3A_256 = arith.constant 0 : index
    %swap3A_257 = vector.load %arg10[%swap3A, %swap3A_256] : memref<1024x8xi32, #tpu.memory_space<vmem>>, vector<1024x8xi32>
    tpu.vector_store %arg10[%swap3A, %swap3A_256], %concatenate3A_255 {strides = array<i32>} : memref<1024x8xi32, #tpu.memory_space<vmem>>, vector<1024x8xi32>,
    %reduce_max3A_258 = arith.constant dense<0xFF800000> : vector<1024xf32>
    %reduce_max3A_259 = vector.multi_reduction <maximumf>, %concatenate3A_254, %reduce_max3A_258 [1] : vector<1024x8xf32> to vector<1024xf32>
    %broadcast_in_dim3A_260 = vector.shape_cast %reduce_max3A_259 : vector<1024xf32> to vector<1024x1xf32>
    %sub3A = vector.broadcast %broadcast_in_dim3A_260 : vector<1024x1xf32> to vector<1024x8xf32>
    %sub3A_261 = arith.subf %concatenate3A_254, %sub3A : vector<1024x8xf32>
    %exp3A = math.exp %sub3A_261 : vector<1024x8xf32>
    %reduce_sum3A = arith.constant dense<0.000000e+00> : vector<1024xf32>
    %reduce_sum3A_262 = vector.multi_reduction <add>, %exp3A, %reduce_sum3A [1] : vector<1024x8xf32> to vector<1024xf32>
    %broadcast_in_dim3A_263 = vector.shape_cast %reduce_sum3A_262 : vector<1024xf32> to vector<1024x1xf32>
    %div3A = vector.broadcast %broadcast_in_dim3A_263 : vector<1024x1xf32> to vector<1024x8xf32>
    %div3A_264 = arith.divf %exp3A, %div3A : vector<1024x8xf32>
    %swap3A_265 = arith.constant 0 : index
    %swap3A_266 = arith.constant 0 : index
    %swap3A_267 = vector.load %arg11[%swap3A_265, %swap3A_266] : memref<1024x8xf32, #tpu.memory_space<vmem>>, vector<1024x8xf32>
    tpu.vector_store %arg11[%swap3A_265, %swap3A_266], %div3A_264 {strides = array<i32>} : memref<1024x8xf32, #tpu.memory_space<vmem>>, vector<1024x8xf32>,
    %reduce_sum3A_268 = arith.constant dense<0.000000e+00> : vector<1024xf32>
    %reduce_sum3A_269 = vector.multi_reduction <add>, %concatenate3A_254, %reduce_sum3A_268 [1] : vector<1024x8xf32> to vector<1024xf32>
    %broadcast_in_dim3A_270 = vector.shape_cast %reduce_sum3A_269 : vector<1024xf32> to vector<1024x1xf32>
    %div3A_271 = arith.constant 8.000000e+00 : f32
    %div3A_272 = vector.broadcast %div3A_271 : f32 to vector<1024x1xf32>
    %div3A_273 = arith.divf %broadcast_in_dim3A_270, %div3A_272 : vector<1024x1xf32>
    %jit3A_274 = arith.constant 0.000000e+00 : f32
    %jit3A_275 = arith.constant 1.000000e+00 : f32
    %max3A = vector.broadcast %jit3A_274 : f32 to vector<1024x1xf32>
    %max3A_276 = arith.maximumf %max3A, %div3A_273 : vector<1024x1xf32>
    %min3A = vector.broadcast %jit3A_275 : f32 to vector<1024x1xf32>
    %min3A_277 = arith.minimumf %min3A, %max3A_276 : vector<1024x1xf32>
    %swap3A_278 = arith.constant 0 : index
    %swap3A_279 = arith.constant 0 : index
    %swap3A_280 = vector.load %arg12[%swap3A_278, %swap3A_279] : memref<1024x1xf32, #tpu.memory_space<vmem>>, vector<1024x1xf32>
    tpu.vector_store %arg12[%swap3A_278, %swap3A_279], %min3A_277 {strides = array<i32>} : memref<1024x1xf32, #tpu.memory_space<vmem>>, vector<1024x1xf32>,
    return
  }
  func.func @transform_0(%arg0: i32) -> (i32, i32) {
    %add3A = arith.constant 0 : i32
    %add3A_0 = arith.addi %add3A, %arg0 : i32
    %c0_i32 = arith.constant 0 : i32
    %c0_i32_1 = arith.constant 0 : i32
    return %add3A_0, %c0_i32 : i32, i32
  }
  func.func @transform_1(%arg0: i32) -> (i32, i32) {
    %add3A = arith.constant 4 : i32
    %add3A_0 = arith.addi %add3A, %arg0 : i32
    %c0_i32 = arith.constant 0 : i32
    %c0_i32_1 = arith.constant 0 : i32
    return %add3A_0, %c0_i32 : i32, i32
  }
  func.func @transform_2(%arg0: i32) -> (i32, i32) {
    %add3A = arith.constant 8 : i32
    %add3A_0 = arith.addi %add3A, %arg0 : i32
    %c0_i32 = arith.constant 0 : i32
    %c0_i32_1 = arith.constant 0 : i32
    return %add3A_0, %c0_i32 : i32, i32
  }
  func.func @transform_3(%arg0: i32) -> (i32, i32) {
    %add3A = arith.constant 12 : i32
    %add3A_0 = arith.addi %add3A, %arg0 : i32
    %c0_i32 = arith.constant 0 : i32
    %c0_i32_1 = arith.constant 0 : i32
    return %add3A_0, %c0_i32 : i32, i32
  }
  func.func @transform_4(%arg0: i32) -> (i32, i32) {
    %add3A = arith.constant 16 : i32
    %add3A_0 = arith.addi %add3A, %arg0 : i32
    %c0_i32 = arith.constant 0 : i32
    %c0_i32_1 = arith.constant 0 : i32
    return %add3A_0, %c0_i32 : i32, i32
  }
  func.func @transform_5(%arg0: i32) -> (i32, i32) {
    %add3A = arith.constant 20 : i32
    %add3A_0 = arith.addi %add3A, %arg0 : i32
    %c0_i32 = arith.constant 0 : i32
    %c0_i32_1 = arith.constant 0 : i32
    return %add3A_0, %c0_i32 : i32, i32
  }
  func.func @transform_6(%arg0: i32) -> (i32, i32) {
    %add3A = arith.constant 24 : i32
    %add3A_0 = arith.addi %add3A, %arg0 : i32
    %c0_i32 = arith.constant 0 : i32
    %c0_i32_1 = arith.constant 0 : i32
    return %add3A_0, %c0_i32 : i32, i32
  }
  func.func @transform_7(%arg0: i32) -> (i32, i32) {
    %add3A = arith.constant 28 : i32
    %add3A_0 = arith.addi %add3A, %arg0 : i32
    %c0_i32 = arith.constant 0 : i32
    %c0_i32_1 = arith.constant 0 : i32
    return %add3A_0, %c0_i32 : i32, i32
  }
  func.func @transform_8(%arg0: i32) -> (i32, i32) {
    %c0_i32 = arith.constant 0 : i32
    %c0_i32_0 = arith.constant 0 : i32
    return %arg0, %c0_i32 : i32, i32
  }
  func.func @transform_9(%arg0: i32) -> (i32, i32) {
    %c0_i32 = arith.constant 0 : i32
    %c0_i32_0 = arith.constant 0 : i32
    return %arg0, %c0_i32 : i32, i32
  }
  func.func @transform_10(%arg0: i32) -> (i32, i32) {
    %c0_i32 = arith.constant 0 : i32
    %c0_i32_0 = arith.constant 0 : i32
    return %arg0, %c0_i32 : i32, i32
  }
  func.func @transform_11(%arg0: i32) -> (i32, i32) {
    %c0_i32 = arith.constant 0 : i32
    %c0_i32_0 = arith.constant 0 : i32
    return %arg0, %c0_i32 : i32, i32
  }
}

module attributes {stable_mosaic.version = 14 : i64} {
  func.func @_combine_body(%arg0: i32, %arg1: memref<1024x128xf32, #tpu.memory_space<vmem>>, %arg2: memref<1024x128xf32, #tpu.memory_space<vmem>>, %arg3: memref<1024x128xf32, #tpu.memory_space<vmem>>, %arg4: memref<1024x128xf32, #tpu.memory_space<vmem>>, %arg5: memref<1024x128xf32, #tpu.memory_space<vmem>>, %arg6: memref<1024x128xf32, #tpu.memory_space<vmem>>, %arg7: memref<1024x128xf32, #tpu.memory_space<vmem>>, %arg8: memref<1024x128xf32, #tpu.memory_space<vmem>>, %arg9: memref<1024x8xf32, #tpu.memory_space<vmem>>, %arg10: memref<1024x128xf32, #tpu.memory_space<vmem>>) attributes {dimension_semantics = [#tpu.dimension_semantics<parallel>], iteration_bounds = array<i64: 4>, scalar_prefetch = 0 : i64, scratch_operands = 0 : i64, tpu.core_type = #tpu.core_type<tc>, window_params = [{transform_indices = @transform_0, window_bounds = array<i64: 1024, 128>}, {transform_indices = @transform_1, window_bounds = array<i64: 1024, 128>}, {transform_indices = @transform_2, window_bounds = array<i64: 1024, 128>}, {transform_indices = @transform_3, window_bounds = array<i64: 1024, 128>}, {transform_indices = @transform_4, window_bounds = array<i64: 1024, 128>}, {transform_indices = @transform_5, window_bounds = array<i64: 1024, 128>}, {transform_indices = @transform_6, window_bounds = array<i64: 1024, 128>}, {transform_indices = @transform_7, window_bounds = array<i64: 1024, 128>}, {transform_indices = @transform_8, window_bounds = array<i64: 1024, 8>}, {transform_indices = @transform_9, window_bounds = array<i64: 1024, 128>}]} {
    %get3A = arith.constant 0 : index
    %get3A_0 = arith.constant 0 : index
    %get3A_1 = vector.load %arg9[%get3A, %get3A_0] : memref<1024x8xf32, #tpu.memory_space<vmem>>, vector<1024x8xf32>
    %get3A_2 = arith.constant 0 : index
    %get3A_3 = arith.constant 0 : index
    %get3A_4 = vector.load %arg1[%get3A_2, %get3A_3] : memref<1024x128xf32, #tpu.memory_space<vmem>>, vector<1024x128xf32>
    %slice3A = vector.extract_strided_slice %get3A_1 {offsets = [0, 0], sizes = [1024, 1], strides = [1, 1]} : vector<1024x8xf32> to vector<1024x1xf32>
    %mul3A = vector.broadcast %slice3A : vector<1024x1xf32> to vector<1024x128xf32>
    %mul3A_5 = arith.mulf %get3A_4, %mul3A : vector<1024x128xf32>
    %get3A_6 = arith.constant 0 : index
    %get3A_7 = arith.constant 0 : index
    %get3A_8 = vector.load %arg2[%get3A_6, %get3A_7] : memref<1024x128xf32, #tpu.memory_space<vmem>>, vector<1024x128xf32>
    %slice3A_9 = vector.extract_strided_slice %get3A_1 {offsets = [0, 1], sizes = [1024, 1], strides = [1, 1]} : vector<1024x8xf32> to vector<1024x1xf32>
    %mul3A_10 = vector.broadcast %slice3A_9 : vector<1024x1xf32> to vector<1024x128xf32>
    %mul3A_11 = arith.mulf %get3A_8, %mul3A_10 : vector<1024x128xf32>
    %add3A = arith.addf %mul3A_5, %mul3A_11 : vector<1024x128xf32>
    %get3A_12 = arith.constant 0 : index
    %get3A_13 = arith.constant 0 : index
    %get3A_14 = vector.load %arg3[%get3A_12, %get3A_13] : memref<1024x128xf32, #tpu.memory_space<vmem>>, vector<1024x128xf32>
    %slice3A_15 = vector.extract_strided_slice %get3A_1 {offsets = [0, 2], sizes = [1024, 1], strides = [1, 1]} : vector<1024x8xf32> to vector<1024x1xf32>
    %mul3A_16 = vector.broadcast %slice3A_15 : vector<1024x1xf32> to vector<1024x128xf32>
    %mul3A_17 = arith.mulf %get3A_14, %mul3A_16 : vector<1024x128xf32>
    %add3A_18 = arith.addf %add3A, %mul3A_17 : vector<1024x128xf32>
    %get3A_19 = arith.constant 0 : index
    %get3A_20 = arith.constant 0 : index
    %get3A_21 = vector.load %arg4[%get3A_19, %get3A_20] : memref<1024x128xf32, #tpu.memory_space<vmem>>, vector<1024x128xf32>
    %slice3A_22 = vector.extract_strided_slice %get3A_1 {offsets = [0, 3], sizes = [1024, 1], strides = [1, 1]} : vector<1024x8xf32> to vector<1024x1xf32>
    %mul3A_23 = vector.broadcast %slice3A_22 : vector<1024x1xf32> to vector<1024x128xf32>
    %mul3A_24 = arith.mulf %get3A_21, %mul3A_23 : vector<1024x128xf32>
    %add3A_25 = arith.addf %add3A_18, %mul3A_24 : vector<1024x128xf32>
    %get3A_26 = arith.constant 0 : index
    %get3A_27 = arith.constant 0 : index
    %get3A_28 = vector.load %arg5[%get3A_26, %get3A_27] : memref<1024x128xf32, #tpu.memory_space<vmem>>, vector<1024x128xf32>
    %slice3A_29 = vector.extract_strided_slice %get3A_1 {offsets = [0, 4], sizes = [1024, 1], strides = [1, 1]} : vector<1024x8xf32> to vector<1024x1xf32>
    %mul3A_30 = vector.broadcast %slice3A_29 : vector<1024x1xf32> to vector<1024x128xf32>
    %mul3A_31 = arith.mulf %get3A_28, %mul3A_30 : vector<1024x128xf32>
    %add3A_32 = arith.addf %add3A_25, %mul3A_31 : vector<1024x128xf32>
    %get3A_33 = arith.constant 0 : index
    %get3A_34 = arith.constant 0 : index
    %get3A_35 = vector.load %arg6[%get3A_33, %get3A_34] : memref<1024x128xf32, #tpu.memory_space<vmem>>, vector<1024x128xf32>
    %slice3A_36 = vector.extract_strided_slice %get3A_1 {offsets = [0, 5], sizes = [1024, 1], strides = [1, 1]} : vector<1024x8xf32> to vector<1024x1xf32>
    %mul3A_37 = vector.broadcast %slice3A_36 : vector<1024x1xf32> to vector<1024x128xf32>
    %mul3A_38 = arith.mulf %get3A_35, %mul3A_37 : vector<1024x128xf32>
    %add3A_39 = arith.addf %add3A_32, %mul3A_38 : vector<1024x128xf32>
    %get3A_40 = arith.constant 0 : index
    %get3A_41 = arith.constant 0 : index
    %get3A_42 = vector.load %arg7[%get3A_40, %get3A_41] : memref<1024x128xf32, #tpu.memory_space<vmem>>, vector<1024x128xf32>
    %slice3A_43 = vector.extract_strided_slice %get3A_1 {offsets = [0, 6], sizes = [1024, 1], strides = [1, 1]} : vector<1024x8xf32> to vector<1024x1xf32>
    %mul3A_44 = vector.broadcast %slice3A_43 : vector<1024x1xf32> to vector<1024x128xf32>
    %mul3A_45 = arith.mulf %get3A_42, %mul3A_44 : vector<1024x128xf32>
    %add3A_46 = arith.addf %add3A_39, %mul3A_45 : vector<1024x128xf32>
    %get3A_47 = arith.constant 0 : index
    %get3A_48 = arith.constant 0 : index
    %get3A_49 = vector.load %arg8[%get3A_47, %get3A_48] : memref<1024x128xf32, #tpu.memory_space<vmem>>, vector<1024x128xf32>
    %slice3A_50 = vector.extract_strided_slice %get3A_1 {offsets = [0, 7], sizes = [1024, 1], strides = [1, 1]} : vector<1024x8xf32> to vector<1024x1xf32>
    %mul3A_51 = vector.broadcast %slice3A_50 : vector<1024x1xf32> to vector<1024x128xf32>
    %mul3A_52 = arith.mulf %get3A_49, %mul3A_51 : vector<1024x128xf32>
    %add3A_53 = arith.addf %add3A_46, %mul3A_52 : vector<1024x128xf32>
    %swap3A = arith.constant 0 : index
    %swap3A_54 = arith.constant 0 : index
    %swap3A_55 = vector.load %arg10[%swap3A, %swap3A_54] : memref<1024x128xf32, #tpu.memory_space<vmem>>, vector<1024x128xf32>
    tpu.vector_store %arg10[%swap3A, %swap3A_54], %add3A_53 {strides = array<i32>} : memref<1024x128xf32, #tpu.memory_space<vmem>>, vector<1024x128xf32>,
    return
  }
  func.func @transform_0(%arg0: i32) -> (i32, i32) {
    %add3A = arith.constant 0 : i32
    %add3A_0 = arith.addi %add3A, %arg0 : i32
    %c0_i32 = arith.constant 0 : i32
    %c0_i32_1 = arith.constant 0 : i32
    return %add3A_0, %c0_i32 : i32, i32
  }
  func.func @transform_1(%arg0: i32) -> (i32, i32) {
    %add3A = arith.constant 4 : i32
    %add3A_0 = arith.addi %add3A, %arg0 : i32
    %c0_i32 = arith.constant 0 : i32
    %c0_i32_1 = arith.constant 0 : i32
    return %add3A_0, %c0_i32 : i32, i32
  }
  func.func @transform_2(%arg0: i32) -> (i32, i32) {
    %add3A = arith.constant 8 : i32
    %add3A_0 = arith.addi %add3A, %arg0 : i32
    %c0_i32 = arith.constant 0 : i32
    %c0_i32_1 = arith.constant 0 : i32
    return %add3A_0, %c0_i32 : i32, i32
  }
  func.func @transform_3(%arg0: i32) -> (i32, i32) {
    %add3A = arith.constant 12 : i32
    %add3A_0 = arith.addi %add3A, %arg0 : i32
    %c0_i32 = arith.constant 0 : i32
    %c0_i32_1 = arith.constant 0 : i32
    return %add3A_0, %c0_i32 : i32, i32
  }
  func.func @transform_4(%arg0: i32) -> (i32, i32) {
    %add3A = arith.constant 16 : i32
    %add3A_0 = arith.addi %add3A, %arg0 : i32
    %c0_i32 = arith.constant 0 : i32
    %c0_i32_1 = arith.constant 0 : i32
    return %add3A_0, %c0_i32 : i32, i32
  }
  func.func @transform_5(%arg0: i32) -> (i32, i32) {
    %add3A = arith.constant 20 : i32
    %add3A_0 = arith.addi %add3A, %arg0 : i32
    %c0_i32 = arith.constant 0 : i32
    %c0_i32_1 = arith.constant 0 : i32
    return %add3A_0, %c0_i32 : i32, i32
  }
  func.func @transform_6(%arg0: i32) -> (i32, i32) {
    %add3A = arith.constant 24 : i32
    %add3A_0 = arith.addi %add3A, %arg0 : i32
    %c0_i32 = arith.constant 0 : i32
    %c0_i32_1 = arith.constant 0 : i32
    return %add3A_0, %c0_i32 : i32, i32
  }
  func.func @transform_7(%arg0: i32) -> (i32, i32) {
    %add3A = arith.constant 28 : i32
    %add3A_0 = arith.addi %add3A, %arg0 : i32
    %c0_i32 = arith.constant 0 : i32
    %c0_i32_1 = arith.constant 0 : i32
    return %add3A_0, %c0_i32 : i32, i32
  }
  func.func @transform_8(%arg0: i32) -> (i32, i32) {
    %c0_i32 = arith.constant 0 : i32
    %c0_i32_0 = arith.constant 0 : i32
    return %arg0, %c0_i32 : i32, i32
  }
  func.func @transform_9(%arg0: i32) -> (i32, i32) {
    %c0_i32 = arith.constant 0 : i32
    %c0_i32_0 = arith.constant 0 : i32
    return %arg0, %c0_i32 : i32, i32
  }
}

</mosaic_0001>

<sc_bundles>
// kernel: kernel.10.cloned.1.call-start
scs
__scs_entry_jumppad:
0x0: {  	(pc) =	sbr.rel $0x88, $3  }
0x1: {  	(tag) =	ssettag $0x0;
	lr =	simm.s32 $0x1  }
0x2: {  	[smem:$0x3F9E] =	sst lr;
	_ =	strace $0xD0000000  }
0x3: {  	_ = 	snop  }
0x4: {  	_ = 	snop  }
0x5: {  	_ = 	snop  }
0x6: {  	_ = 	snop  }
0x7: {  	_ = 	snop  }
__scs_overlays_trampoline_lowered:
0x8: {  	[smem:$0x3FAD] =	sst s0  }
0x9: {  	[smem:$0x3FAE] =	sst s1  }
0xa: {  	[smem:$0x3FAF] =	sst s2  }
0xb: {  	[smem:$0x3FB0] =	sst s3  }
0xc: {  	[smem:$0x3FB1] =	sst s4  }
0xd: {  	[smem:$0x3FB2] =	sst s5  }
0xe: {  	[smem:$0x3FB3] =	sst s6  }
0xf: {  	[smem:$0x3FB4] =	sst s7  }
0x10: {  	[smem:$0x3FB5] =	sst s8  }
0x11: {  	[smem:$0x3FB6] =	sst s9;
	s0 =	simm.s32 @!p0 $0x0  }
0x12: {  	s1 =	sld [smem:$0x3F9C];
	s0 =	simm.s32 @p0 $0x1  }
0x13: {  	[smem:$0x3FB7] =	sst s0;
	s0 =	simm.s32 @!p1 $0x0  }
0x14: {  	s2 =	sld [smem:$0x3F9B];
	s0 =	simm.s32 @p1 $0x1  }
0x15: {  	[smem:$0x3FB8] =	sst s0;
	s0 =	simm.s32 @!p2 $0x0  }
0x16: {  	s3 =	sld [smem:$0x3FDB];
	s0 =	simm.s32 @p2 $0x1  }
0x17: {  	s4 =	simm.s32 $0x1BF5;
	[smem:$0x3FBA] =	sst s0  }
0x18: {  	s0 =	sld [smem:$0x3F9D];
	_ =	swait.ge [sflag:s4], $0x0  }
0x19: {  	s7 =	sld [smem:$0x3F9E]  }
0x1a: {  	s8 =	sadd.s32 $0xFFFFE003, lr  }
0x1b: {  	s9 =	sadd.s32 $0xFFFFFEF7, lr;
	s5 =	simm.s32 $0xFFFFFFFF;
	p2 =	slt.u32 s8, $0xFFFFF086  }
0x1c: {  	p1 =	slt.u32 s9, $0xF7A;
	s5 =	simm.s32 @!p2 $0x0  }
0x1d: {  	s5 =	simm.s32 @p1 $0x1;
	p0 =	seq.s32 s7, s2  }
0x1e: {  	s7 =	smul.u32 @!p0 $0xF7A, s2;
	p2 =	seq.s32 @!p0 s5, $0x0  }
0x1f: {  	s9 =	smul.u32 $0xF7A, s1;
	s8 =	simm.s32 @!p0 $0x1BF5;
	p2 =	por !p2, p0  }
0x20: {  	[sflag:s8] =	ssyncset.s32 @!p0 $0xFFFFF086;
	s6 =	sadd.s32 @!p0 s3, s7;
	s7 =	simm.s32 @!p0 $0x108  }
0x21: {  	s3 =	sadd.s32 s3, s9;
	s6 =	sadd.s32 @!p0 $0x88, s6;
	s7 =	simm.s32 @p2 $0x1082  }
0x22: {  	[simem:s7], [sflag:s8] =	dma.local @!p0 [hbm:s6], $0xF7A  }
0x23: {  	s9 =	sor.u32 $0xD0000000, s2;
	s6 =	simm.s32 $0x108;
	_ =	swait.ge @!p0 [sflag:s8], $0x0  }
0x24: {  	s3 =	sadd.s32 $0x88, s3;
	s6 =	simm.s32 @!p1 $0x1082;
	[sflag:s4] =	ssyncset.s32 $0xFFFFF086  }
0x25: {  	[simem:s6], [sflag:s4] =	dma.local [hbm:s3], $0xF7A  }
0x26: {  	[smem:$0x3F9E] =	sst s1;
	(tag) =	ssettag s2;
	_ =	strace s9  }
0x27: {  	s1 =	sld [smem:$0x3FAE]  }
0x28: {  	s2 =	sld [smem:$0x3FAF]  }
0x29: {  	s4 =	sld [smem:$0x3FB1]  }
0x2a: {  	p0 =	seq.s32 s5, $0x0;
	s5 =	sld [smem:$0x3FB2]  }
0x2b: {  	s6 =	sld [smem:$0x3FB3]  }
0x2c: {  	s7 =	sld [smem:$0x3FB4]  }
0x2d: {  	s3 =	simm.s32 $0x108;
	s8 =	sld [smem:$0x3FB5]  }
0x2e: {  	s3 =	simm.s32 @!p0 $0x1082;
	s9 =	sld [smem:$0x3FB6]  }
0x2f: {  	lr =	sadd.s32 s0, s3;
	s0 =	sld [smem:$0x3FAD]  }
0x30: {  	s3 =	sld [smem:$0x3FB0]  }
0x31: {  	[smem:$0x3FB9] =	sst s10  }
0x32: {  	s10 =	sld [smem:$0x3FB7];
	_ =	sdelay $0x3  }
0x33: {  	p0 =	seq.s32 s10, $0x1;
	s10 =	sld [smem:$0x3FB9];
	_ =	sdelay $0x3  }
0x34: {  	[smem:$0x3FB9] =	sst s10  }
0x35: {  	s10 =	sld [smem:$0x3FB8];
	_ =	sdelay $0x3  }
0x36: {  	p1 =	seq.s32 s10, $0x1;
	s10 =	sld [smem:$0x3FB9];
	_ =	sdelay $0x3  }
0x37: {  	[smem:$0x3FB9] =	sst s10  }
0x38: {  	s10 =	sld [smem:$0x3FBA]  }
0x39: {  	_ = 	snop;
	(pc) =	sbr.ind lr, $3  }
0x3a: {  	_ = 	snop  }
0x3b: {  	_ = 	snop  }
0x3c: {  	p2 =	seq.s32 s10, $0x1;
	s10 =	sld [smem:$0x3FB9]  }
0x3d: {  	_ =	shalt  }
0x3e: {  	_ =	shalt  }
0x3f: {  	_ =	shalt  }
0x40: {  	_ =	shalt  }
0x41: {  	_ =	shalt  }
0x42: {  	_ =	shalt  }
0x43: {  	_ =	shalt  }
0x44: {  	_ =	shalt  }
0x45: {  	_ =	shalt  }
0x46: {  	_ =	shalt  }
0x47: {  	_ =	shalt  }
0x48: {  	_ =	shalt  }
0x49: {  	_ =	shalt  }
0x4a: {  	_ =	shalt  }
0x4b: {  	_ =	shalt  }
0x4c: {  	_ =	shalt  }
0x4d: {  	_ =	shalt  }
0x4e: {  	_ =	shalt  }
0x4f: {  	_ =	shalt  }
0x50: {  	_ =	shalt  }
0x51: {  	_ =	shalt  }
0x52: {  	_ =	shalt  }
0x53: {  	_ =	shalt  }
0x54: {  	_ =	shalt  }
0x55: {  	_ =	shalt  }
0x56: {  	_ =	shalt  }
0x57: {  	_ =	shalt  }
0x58: {  	_ =	shalt  }
0x59: {  	_ =	shalt  }
0x5a: {  	_ =	shalt  }
0x5b: {  	_ =	shalt  }
0x5c: {  	_ =	shalt  }
0x5d: {  	_ =	shalt  }
0x5e: {  	_ =	shalt  }
0x5f: {  	_ =	shalt  }
0x60: {  	_ =	shalt  }
0x61: {  	_ =	shalt  }
0x62: {  	_ =	shalt  }
0x63: {  	_ =	shalt  }
0x64: {  	_ =	shalt  }
0x65: {  	_ =	shalt  }
0x66: {  	_ =	shalt  }
0x67: {  	_ =	shalt  }
0x68: {  	_ =	shalt  }
0x69: {  	_ =	shalt  }
0x6a: {  	_ =	shalt  }
0x6b: {  	_ =	shalt  }
0x6c: {  	_ =	shalt  }
0x6d: {  	_ =	shalt  }
0x6e: {  	_ =	shalt  }
0x6f: {  	_ =	shalt  }
0x70: {  	_ =	shalt  }
0x71: {  	_ =	shalt  }
0x72: {  	_ =	shalt  }
0x73: {  	_ =	shalt  }
0x74: {  	_ =	shalt  }
0x75: {  	_ =	shalt  }
0x76: {  	_ =	shalt  }
0x77: {  	_ =	shalt  }
0x78: {  	_ =	shalt  }
0x79: {  	_ =	shalt  }
0x7a: {  	_ =	shalt  }
0x7b: {  	_ =	shalt  }
0x7c: {  	_ =	shalt  }
0x7d: {  	_ =	shalt  }
0x7e: {  	_ =	shalt  }
0x7f: {  	_ =	shalt  }
0x80: {  	_ =	shalt  }
0x81: {  	_ =	shalt  }
0x82: {  	_ =	shalt  }
0x83: {  	_ =	shalt  }
0x84: {  	_ =	shalt  }
0x85: {  	_ =	shalt  }
0x86: {  	_ =	shalt  }
0x87: {  	_ =	shalt  }
.Lfunc_end0:
.L_simem_size_0:
called_computation.1_lowered:
.L_overlay_start_0:
0x88: {  	s2 =	sld [smem:$0x3FD9]  }
0x89: {  	s3 =	sld [smem:$0x3FFE];
	_ =	sdelay $0x1  }
0x8a: {  	s1 =	srdreg.scid  }
0x8b: {  	s0 =	sand.u32 $0x1, s1  }
0x8c: {  	s14 =	sshll.u32 s0, $0xA;
	s2 =	sadd.s32 s3, s2  }
0x8d: {  	s2 =	sadd.s32 s2, s14  }
0x8e: {  	[smem:$0x3FC5] =	sst s2  }
0x8f: {  	_ = 	snop  }
0x90: {  	s2 =	sld [smem:$0x3FD0];
	_ =	sdelay $0x2  }
0x91: {  	s4 =	simm.s32 $0xA;
	s5 =	simm.s32 $0x10;
	s15 =	sld [smem:$0x3FC7]  }
0x92: {  	[smem:s5], [sflag:s4] =	dma.local [hbm:s2], $0x1  }
0x93: {  	_ =	swait.eq [sflag:s4], $0x1  }
0x94: {  	[sflag:s4] =	ssyncset.done $0x0  }
0x95: {  	[sflag:s4] =	ssyncadd.s32 $0xFFFFFFFF  }
0x96: {  	s16 =	sld [smem:$0x10];
	(tm) =	ssettm $0x1  }
0x97: {  	s17 =	sld [smem:$0x3FFB];
	_ =	sdelay $0x3  }
0x98: {  	_ =	strace s17  }
0x99: {  	s4 =	sld [smem:$0x3FFC];
	_ =	sdelay $0x3  }
0x9a: {  	_ =	strace s4  }
0x9b: {  	s4 =	sld [smem:$0x3FFD];
	_ =	sdelay $0x3  }
0x9c: {  	_ =	strace s4  }
0x9d: {  	_ =	strace $0x8FFFFFFF  }
0x9e: {  	s18 =	sld [smem:$0x3FDB];
	_ =	sdelay $0x1  }
0x9f: {  	s19 =	simm.s32 $_scs_section_size  }
0xa0: {  	s6 =	simm.s32 $_size__tile_overlayer_lowered;
	s7 =	simm.s32 $_tile_overlayer_lowered  }
0xa1: {  	s22 =	simm.s32 $0x1BFF;
	s21 =	sshll.u32 s7, $0x1;
	s4 =	sadd.s32 s19, s18  }
0xa2: {  	s8 =	simm.s32 $0x0;
	s20 =	sshll.u32 s6, $0x1;
	s6 =	sadd.s32 s21, s4  }
0xa3: {  	[timem:s8], [sflag:s22] =	dma.local [hbm:s6], s20  }
0xa4: {  	_ =	swait.ge [sflag:s22], s20  }
0xa5: {  	s5 =	ssub.s32 $0x0, s20;
	[sflag:s22] =	ssyncset.done $0x0  }
0xa6: {  	[sflag:s22] =	ssyncadd.s32 s5;
	_ =	sdelay $0x1  }
0xa7: {  	s23 =	simm.s32 $0x1B8B  }
0xa8: {  	_ =	swait.ge [sflag:s23], $0x1  }
0xa9: {  	[sflag:s23] =	ssyncset.done $0x0  }
0xaa: {  	s25 =	simm.s32 $0x1B8E;
	s24 =	sld [smem:$0x3FFE];
	[sflag:s23] =	ssyncadd.s32 $0xFFFFFFFF  }
0xab: {  	s26 =	simm.s32 $execute0_lowered;
	[smem:$0x3FD2] =	sst s25  }
0xac: {  	s6 =	sshll.u32 s26, $0x1;
	_ =	strace $0x80000049;
	[dreg:$0x1] =	wrdreg $0xFFFFFFFF  }
0xad: {  	s28 =	simm.s32 $_size_execute0_lowered;
	s4 =	sadd.s32 s4, s6;
	[dreg:$0x0] =	wrdreg $0x0  }
0xae: {  	s6 =	sshll.u32 s28, $0x1;
	[dreg:$0x2] =	wrdreg s4  }
0xaf: {  	[dreg:$0x3] =	wrdreg s6  }
0xb0: {  	[dreg:$0x4] =	wrdreg $0xC0  }
0xb1: {  	_ =	task [dreg:s8], $0x5FFFF  }
0xb2: {  	[dreg:$0x1] =	wrdreg $0xFFFFFFFF  }
0xb3: {  	[dreg:$0x0] =	wrdreg $0x60  }
0xb4: {  	[dreg:$0x2] =	wrdreg s15  }
0xb5: {  	[dreg:$0x3] =	wrdreg s16  }
0xb6: {  	[dreg:$0x4] =	wrdreg s24  }
0xb7: {  	[dreg:$0x5] =	wrdreg $0x9  }
0xb8: {  	_ =	task.clear_ibuf [dreg:s8], $0x6FFFF;
	_ =	strace $0x90000049  }
0xb9: {  	s29 =	simm.s32 $0x9;
	_ =	strace $0x8000004B  }
0xba: {  	_ =	swait.ge [sflag:s29], $0x1  }
0xbb: {  	[sflag:s29] =	ssyncadd.s32 $0xFFFFFFFF  }
0xbc: {  	_ =	strace $0x9000004B  }
0xbd: {  	_ =	sfence  }
0xbe: {  	s30 =	sld [smem:$0x0];
	_ =	sdelay $0x2  }
0xbf: {  	s31 =	sshll.u32 s1, $0xD;
	s1 =	sshrl.u32 s1, $0x2  }
0xc0: {  	s3 =	sand.u32 $0x4000, s31;
	s1 =	sadd.s32 s1, s30  }
0xc1: {  	s0 =	sor.u32 s3, s0;
	s1 =	sshll.u32 s1, $0x11  }
0xc2: {  	s0 =	sor.u32 s1, s0  }
0xc3: {  	s0 =	sadd.s32 $0x8F2B, s0  }
0xc4: {  	[sflag:s0] =	ssyncadd.remote.s32 $0x1  }
0xc5: {  	_ =	sfence.sel $0xFFFF  }
0xc6: {  	[dreg:$0x0] =	wrdreg $0xFFFFFFFF;
	(pc) =	sbr.abs _section_cstart, $3  }
0xc7: {  	[dreg:$0x1] =	wrdreg $0xFFFFFFFF  }
0xc8: {  	_ =	task.clear_ibuf [dreg:s8], $0x2FFFF;
	_ =	strace $0x9FFFFFFF  }
0xc9: {  	(tm) =	ssettm $0x7FFFFFFF  }
tec
execute0_lowered:
.L_overlay_start_1:
0x0: {  	(tag) =	ssettag $0x1  }
0x1: {  	s1 =	rddreg [dreg:$0x0];
	s2 =	srdreg.scid  }
0x2: {  	s9 =	rddreg [dreg:$0x1];
	s0 =	stileid.u32;
	s10 =	sand.u32 $0x1, s2  }
0x3: {  	s8 =	rddreg [dreg:$0x2];
	s4 =	sshll.u32 s0, $0xB;
	s5 =	sshll.u32 s10, $0xA  }
0x4: {  	s3 =	simm.s32 $0x0;
	s2 =	rddreg [dreg:$0x3];
	s11 =	sor.u32 s5, s4  }
0x5: {  	[smem:$0x7FF] =	sst s3;
	s4 =	sshrl.u32 s11, $0x3  }
0x6: {  	_ =	strace $0x8000004A;
	s5 =	sadd.s32 s9, s4;
	s4 =	simm.s32 $0x2  }
0x7: {  	[tilespmem:s3], [sflag:$0x2] =	stream.linear.gather [hbm4b:s5+s3], $0x200, $0x38;
	[tilespmem:$0x10200] =	vst v63  }
0x8: {  	_ =	swait.ge [sflag:s4], $0x200  }
0x9: {  	[sflag:s4] =	ssyncset.done $0x0  }
0xa: {  	s6 =	simm.s32 $0x200;
	s7 =	simm.s32 $0x1;
	[sflag:s4] =	ssyncadd.s32 $0xFFFFFE00  }
0xb: {  	[tilespmem:s6], [sflag:$0x1] =	stream.indirect.gather [hbm4b:s1+s6], $0x80, s3, s6, $0xb8;
	[tilespmem:$0x10200] =	vst v63  }
0xc: {  	_ =	swait.ge [sflag:s7], $0x10000  }
0xd: {  	s12 =	sadd.s32 $0x400, s8;
	s28 =	sshll.u32 s11, $0x4;
	[sflag:s7] =	ssyncset.done $0x0  }
0xe: {  	s8 =	sadd.s32 s12, s28;
	[sflag:s7] =	ssyncadd.s32 $0xFFFF0000  }
0xf: {  	[hbm4b:s8+s3] =	stream.linear.scatter [tilespmem:s6], [sflag:$0x2], $0x10000, $0x38;
	[tilespmem:$0x10200] =	vst v63  }
0x10: {  	s11 =	sor.u32 $0x200, s11;
	_ =	swait.ge [sflag:s4], $0x10000  }
0x11: {  	s13 =	sshrl.u32 s11, $0x3;
	[sflag:s4] =	ssyncset.done $0x0  }
0x12: {  	s10 =	ssub.s32 $0x2, s10;
	s9 =	sadd.s32 s9, s13;
	[sflag:s4] =	ssyncadd.s32 $0xFFFF0000  }
0x13: {  	[tilespmem:s3], [sflag:$0x2] =	stream.linear.gather [hbm4b:s9+s3], $0x200, $0x38;
	[tilespmem:$0x10200] =	vst v63  }
0x14: {  	s29 =	sshrl.u32 s10, $0x1;
	_ =	swait.ge [sflag:s4], $0x200  }
0x15: {  	s13 =	ssub.s32 s10, s29;
	[sflag:s4] =	ssyncset.done $0x0  }
0x16: {  	s31 =	smax.u32 s13, $0x1;
	[sflag:s4] =	ssyncadd.s32 $0xFFFFFE00  }
0x17: {  	[tilespmem:s6], [sflag:$0x1] =	stream.indirect.gather [hbm4b:s1+s6], $0x80, s3, s6, $0xb8;
	[tilespmem:$0x10200] =	vst v63  }
0x18: {  	p0 =	sne.s32 s31, $0x1;
	_ =	swait.ge [sflag:s7], $0x10000  }
.Ltmp0:
0x19: {  	s30 =	sshll.u32 s11, $0x4;
	[sflag:s7] =	ssyncset.done $0x0;
	(pc) =	sbr.rel @!p0 .LBB2_2-.Ltmp0, $4  }
0x1a: {  	s10 =	sadd.s32 s12, s30;
	[sflag:s7] =	ssyncadd.s32 $0xFFFF0000  }
0x1b: {  	[hbm4b:s10+s3] =	stream.linear.scatter [tilespmem:s6], [sflag:$0x2], $0x10000, $0x38;
	[tilespmem:$0x10200] =	vst v63  }
0x1c: {  	_ =	swait.ge [sflag:s4], $0x10000  }
0x1d: {  	s11 =	sadd.s32 $0xFFFFFFFF, s31;
	[sflag:s4] =	ssyncset.done $0x0  }
.LBB2_1:
0x1e: {  	p0 =	sne.s32 s11, $0x1;
	s11 =	sadd.s32 $0xFFFFFFFF, s11;
	[sflag:s4] =	ssyncadd.s32 $0xFFFF0000  }
0x1f: {  	[tilespmem:s3], [sflag:$0x2] =	stream.linear.gather [hbm4b:s5+s3], $0x200, $0x38;
	[tilespmem:$0x10200] =	vst v63  }
0x20: {  	_ =	swait.ge [sflag:s4], $0x200  }
0x21: {  	[sflag:s4] =	ssyncset.done $0x0  }
0x22: {  	[sflag:s4] =	ssyncadd.s32 $0xFFFFFE00  }
0x23: {  	[tilespmem:s6], [sflag:$0x1] =	stream.indirect.gather [hbm4b:s1+s6], $0x80, s3, s6, $0xb8;
	[tilespmem:$0x10200] =	vst v63  }
0x24: {  	_ =	swait.ge [sflag:s7], $0x10000  }
0x25: {  	[sflag:s7] =	ssyncset.done $0x0  }
0x26: {  	[sflag:s7] =	ssyncadd.s32 $0xFFFF0000  }
0x27: {  	[hbm4b:s8+s3] =	stream.linear.scatter [tilespmem:s6], [sflag:$0x2], $0x10000, $0x38;
	[tilespmem:$0x10200] =	vst v63  }
0x28: {  	_ =	swait.ge [sflag:s4], $0x10000  }
0x29: {  	[sflag:s4] =	ssyncset.done $0x0  }
0x2a: {  	[sflag:s4] =	ssyncadd.s32 $0xFFFF0000  }
0x2b: {  	[tilespmem:s3], [sflag:$0x2] =	stream.linear.gather [hbm4b:s9+s3], $0x200, $0x38;
	[tilespmem:$0x10200] =	vst v63  }
0x2c: {  	_ =	swait.ge [sflag:s4], $0x200  }
0x2d: {  	[sflag:s4] =	ssyncset.done $0x0  }
0x2e: {  	[sflag:s4] =	ssyncadd.s32 $0xFFFFFE00  }
0x2f: {  	[tilespmem:s6], [sflag:$0x1] =	stream.indirect.gather [hbm4b:s1+s6], $0x80, s3, s6, $0xb8;
	[tilespmem:$0x10200] =	vst v63  }
0x30: {  	_ =	swait.ge [sflag:s7], $0x10000  }
.Ltmp1:
0x31: {  	[sflag:s7] =	ssyncset.done $0x0;
	(pc) =	sbr.rel @p0 .LBB2_1-.Ltmp1, $4  }
0x32: {  	[sflag:s7] =	ssyncadd.s32 $0xFFFF0000  }
0x33: {  	[hbm4b:s10+s3] =	stream.linear.scatter [tilespmem:s6], [sflag:$0x2], $0x10000, $0x38;
	[tilespmem:$0x10200] =	vst v63  }
0x34: {  	_ =	swait.ge [sflag:s4], $0x10000  }
0x35: {  	[sflag:s4] =	ssyncset.done $0x0  }
.LBB2_2:
0x36: {  	[sflag:s4] =	ssyncadd.s32 $0xFFFF0000  }
0x37: {  	_ =	sfence.sel $0x180000  }
0x38: {  	[bflag:$0x0] =	sbarrier.arrive $0xFFFF  }
0x39: {  	p0 =	sne.s32 s0, $0x0;
	_ =	strace $0x9000004A  }
0x3a: {  	s0 =	sadd.s32 @!p0 $0x100000, s2;
	[bflag:$0x2] =	sbarrier.arrive $0xFFFF  }
0x3b: {  	[sflag:s0] =	ssyncadd.tile.s32 @!p0 $0x1;
	_ =	shalt  }
.Lfunc_end2:
_tile_overlayer_lowered:
.L_overlay_start_2:
0x3c: {  	(tag) =	ssettag $0x2  }
0x3d: {  	s0 =	rddreg [dreg:$0x0];
	s2 =	stileid.u32  }
0x3e: {  	s1 =	rddreg [dreg:$0x1];
	p0 =	sne.s32 s2, $0x0  }
0x3f: {  	s3 =	rddreg [dreg:$0x2];
	[bflag:$0x3] =	sbarrier.arrive $0xFFFF;
	s2 =	simm.s32 @!p0 $0x1C02  }
0x40: {  	[timem:s3], [sflag:s2] =	dma.local @!p0 [hbm:s0], s1  }
0x41: {  	s0 =	simm.s32 @!p0 $0x2  }
0x42: {  	_ =	swait.ge @!p0 [sflag:s0], s1  }
0x43: {  	s1 =	ssub.s32 @!p0 $0x0, s1;
	[sflag:s0] =	ssyncset.done @!p0 $0x0  }
0x44: {  	[sflag:s0] =	ssyncadd.s32 @!p0 s1  }
0x45: {  	[bflag:$0x3] =	sbarrier.arrive $0xFFFF  }
0x46: {  	_ =	shalt  }

// kernel: kernel.7.cloned.1.call-start
scs
__scs_entry_jumppad:
0x0: {  	(pc) =	sbr.rel $0x88, $3  }
0x1: {  	(tag) =	ssettag $0x0;
	lr =	simm.s32 $0x1  }
0x2: {  	[smem:$0x3F9E] =	sst lr;
	_ =	strace $0xD0000000  }
0x3: {  	_ = 	snop  }
0x4: {  	_ = 	snop  }
0x5: {  	_ = 	snop  }
0x6: {  	_ = 	snop  }
0x7: {  	_ = 	snop  }
__scs_overlays_trampoline_lowered:
0x8: {  	[smem:$0x3FAD] =	sst s0  }
0x9: {  	[smem:$0x3FAE] =	sst s1  }
0xa: {  	[smem:$0x3FAF] =	sst s2  }
0xb: {  	[smem:$0x3FB0] =	sst s3  }
0xc: {  	[smem:$0x3FB1] =	sst s4  }
0xd: {  	[smem:$0x3FB2] =	sst s5  }
0xe: {  	[smem:$0x3FB3] =	sst s6  }
0xf: {  	[smem:$0x3FB4] =	sst s7  }
0x10: {  	[smem:$0x3FB5] =	sst s8  }
0x11: {  	[smem:$0x3FB6] =	sst s9;
	s0 =	simm.s32 @!p0 $0x0  }
0x12: {  	s1 =	sld [smem:$0x3F9C];
	s0 =	simm.s32 @p0 $0x1  }
0x13: {  	[smem:$0x3FB7] =	sst s0;
	s0 =	simm.s32 @!p1 $0x0  }
0x14: {  	s2 =	sld [smem:$0x3F9B];
	s0 =	simm.s32 @p1 $0x1  }
0x15: {  	[smem:$0x3FB8] =	sst s0;
	s0 =	simm.s32 @!p2 $0x0  }
0x16: {  	s3 =	sld [smem:$0x3FDB];
	s0 =	simm.s32 @p2 $0x1  }
0x17: {  	s4 =	simm.s32 $0x1BF5;
	[smem:$0x3FBA] =	sst s0  }
0x18: {  	s0 =	sld [smem:$0x3F9D];
	_ =	swait.ge [sflag:s4], $0x0  }
0x19: {  	s7 =	sld [smem:$0x3F9E]  }
0x1a: {  	s8 =	sadd.s32 $0xFFFFE003, lr  }
0x1b: {  	s9 =	sadd.s32 $0xFFFFFEF7, lr;
	s5 =	simm.s32 $0xFFFFFFFF;
	p2 =	slt.u32 s8, $0xFFFFF086  }
0x1c: {  	p1 =	slt.u32 s9, $0xF7A;
	s5 =	simm.s32 @!p2 $0x0  }
0x1d: {  	s5 =	simm.s32 @p1 $0x1;
	p0 =	seq.s32 s7, s2  }
0x1e: {  	s7 =	smul.u32 @!p0 $0xF7A, s2;
	p2 =	seq.s32 @!p0 s5, $0x0  }
0x1f: {  	s9 =	smul.u32 $0xF7A, s1;
	s8 =	simm.s32 @!p0 $0x1BF5;
	p2 =	por !p2, p0  }
0x20: {  	[sflag:s8] =	ssyncset.s32 @!p0 $0xFFFFF086;
	s6 =	sadd.s32 @!p0 s3, s7;
	s7 =	simm.s32 @!p0 $0x108  }
0x21: {  	s3 =	sadd.s32 s3, s9;
	s6 =	sadd.s32 @!p0 $0x88, s6;
	s7 =	simm.s32 @p2 $0x1082  }
0x22: {  	[simem:s7], [sflag:s8] =	dma.local @!p0 [hbm:s6], $0xF7A  }
0x23: {  	s9 =	sor.u32 $0xD0000000, s2;
	s6 =	simm.s32 $0x108;
	_ =	swait.ge @!p0 [sflag:s8], $0x0  }
0x24: {  	s3 =	sadd.s32 $0x88, s3;
	s6 =	simm.s32 @!p1 $0x1082;
	[sflag:s4] =	ssyncset.s32 $0xFFFFF086  }
0x25: {  	[simem:s6], [sflag:s4] =	dma.local [hbm:s3], $0xF7A  }
0x26: {  	[smem:$0x3F9E] =	sst s1;
	(tag) =	ssettag s2;
	_ =	strace s9  }
0x27: {  	s1 =	sld [smem:$0x3FAE]  }
0x28: {  	s2 =	sld [smem:$0x3FAF]  }
0x29: {  	s4 =	sld [smem:$0x3FB1]  }
0x2a: {  	p0 =	seq.s32 s5, $0x0;
	s5 =	sld [smem:$0x3FB2]  }
0x2b: {  	s6 =	sld [smem:$0x3FB3]  }
0x2c: {  	s7 =	sld [smem:$0x3FB4]  }
0x2d: {  	s3 =	simm.s32 $0x108;
	s8 =	sld [smem:$0x3FB5]  }
0x2e: {  	s3 =	simm.s32 @!p0 $0x1082;
	s9 =	sld [smem:$0x3FB6]  }
0x2f: {  	lr =	sadd.s32 s0, s3;
	s0 =	sld [smem:$0x3FAD]  }
0x30: {  	s3 =	sld [smem:$0x3FB0]  }
0x31: {  	[smem:$0x3FB9] =	sst s10  }
0x32: {  	s10 =	sld [smem:$0x3FB7];
	_ =	sdelay $0x3  }
0x33: {  	p0 =	seq.s32 s10, $0x1;
	s10 =	sld [smem:$0x3FB9];
	_ =	sdelay $0x3  }
0x34: {  	[smem:$0x3FB9] =	sst s10  }
0x35: {  	s10 =	sld [smem:$0x3FB8];
	_ =	sdelay $0x3  }
0x36: {  	p1 =	seq.s32 s10, $0x1;
	s10 =	sld [smem:$0x3FB9];
	_ =	sdelay $0x3  }
0x37: {  	[smem:$0x3FB9] =	sst s10  }
0x38: {  	s10 =	sld [smem:$0x3FBA]  }
0x39: {  	_ = 	snop;
	(pc) =	sbr.ind lr, $3  }
0x3a: {  	_ = 	snop  }
0x3b: {  	_ = 	snop  }
0x3c: {  	p2 =	seq.s32 s10, $0x1;
	s10 =	sld [smem:$0x3FB9]  }
0x3d: {  	_ =	shalt  }
0x3e: {  	_ =	shalt  }
0x3f: {  	_ =	shalt  }
0x40: {  	_ =	shalt  }
0x41: {  	_ =	shalt  }
0x42: {  	_ =	shalt  }
0x43: {  	_ =	shalt  }
0x44: {  	_ =	shalt  }
0x45: {  	_ =	shalt  }
0x46: {  	_ =	shalt  }
0x47: {  	_ =	shalt  }
0x48: {  	_ =	shalt  }
0x49: {  	_ =	shalt  }
0x4a: {  	_ =	shalt  }
0x4b: {  	_ =	shalt  }
0x4c: {  	_ =	shalt  }
0x4d: {  	_ =	shalt  }
0x4e: {  	_ =	shalt  }
0x4f: {  	_ =	shalt  }
0x50: {  	_ =	shalt  }
0x51: {  	_ =	shalt  }
0x52: {  	_ =	shalt  }
0x53: {  	_ =	shalt  }
0x54: {  	_ =	shalt  }
0x55: {  	_ =	shalt  }
0x56: {  	_ =	shalt  }
0x57: {  	_ =	shalt  }
0x58: {  	_ =	shalt  }
0x59: {  	_ =	shalt  }
0x5a: {  	_ =	shalt  }
0x5b: {  	_ =	shalt  }
0x5c: {  	_ =	shalt  }
0x5d: {  	_ =	shalt  }
0x5e: {  	_ =	shalt  }
0x5f: {  	_ =	shalt  }
0x60: {  	_ =	shalt  }
0x61: {  	_ =	shalt  }
0x62: {  	_ =	shalt  }
0x63: {  	_ =	shalt  }
0x64: {  	_ =	shalt  }
0x65: {  	_ =	shalt  }
0x66: {  	_ =	shalt  }
0x67: {  	_ =	shalt  }
0x68: {  	_ =	shalt  }
0x69: {  	_ =	shalt  }
0x6a: {  	_ =	shalt  }
0x6b: {  	_ =	shalt  }
0x6c: {  	_ =	shalt  }
0x6d: {  	_ =	shalt  }
0x6e: {  	_ =	shalt  }
0x6f: {  	_ =	shalt  }
0x70: {  	_ =	shalt  }
0x71: {  	_ =	shalt  }
0x72: {  	_ =	shalt  }
0x73: {  	_ =	shalt  }
0x74: {  	_ =	shalt  }
0x75: {  	_ =	shalt  }
0x76: {  	_ =	shalt  }
0x77: {  	_ =	shalt  }
0x78: {  	_ =	shalt  }
0x79: {  	_ =	shalt  }
0x7a: {  	_ =	shalt  }
0x7b: {  	_ =	shalt  }
0x7c: {  	_ =	shalt  }
0x7d: {  	_ =	shalt  }
0x7e: {  	_ =	shalt  }
0x7f: {  	_ =	shalt  }
0x80: {  	_ =	shalt  }
0x81: {  	_ =	shalt  }
0x82: {  	_ =	shalt  }
0x83: {  	_ =	shalt  }
0x84: {  	_ =	shalt  }
0x85: {  	_ =	shalt  }
0x86: {  	_ =	shalt  }
0x87: {  	_ =	shalt  }
.Lfunc_end0:
.L_simem_size_0:
called_computation_lowered:
.L_overlay_start_0:
0x88: {  	s2 =	sld [smem:$0x3FD9]  }
0x89: {  	s3 =	sld [smem:$0x3FFE];
	_ =	sdelay $0x1  }
0x8a: {  	s1 =	srdreg.scid  }
0x8b: {  	s0 =	sand.u32 $0x1, s1  }
0x8c: {  	s16 =	sshll.u32 s0, $0xA;
	s2 =	sadd.s32 s3, s2  }
0x8d: {  	s2 =	sadd.s32 s2, s16  }
0x8e: {  	[smem:$0x3FC5] =	sst s2  }
0x8f: {  	_ = 	snop  }
0x90: {  	(tm) =	ssettm $0x1  }
0x91: {  	s17 =	sld [smem:$0x3FFB];
	_ =	sdelay $0x3  }
0x92: {  	_ =	strace s17  }
0x93: {  	s2 =	sld [smem:$0x3FFC];
	_ =	sdelay $0x3  }
0x94: {  	_ =	strace s2  }
0x95: {  	s2 =	sld [smem:$0x3FFD];
	_ =	sdelay $0x3  }
0x96: {  	_ =	strace s2  }
0x97: {  	_ =	strace $0x8FFFFFFF  }
0x98: {  	s18 =	sld [smem:$0x3FDB];
	_ =	sdelay $0x1  }
0x99: {  	s19 =	simm.s32 $_scs_section_size  }
0x9a: {  	s4 =	simm.s32 $_size__tile_overlayer_lowered;
	s5 =	simm.s32 $_tile_overlayer_lowered  }
0x9b: {  	s22 =	simm.s32 $0x1BFF;
	s21 =	sshll.u32 s5, $0x1;
	s2 =	sadd.s32 s19, s18  }
0x9c: {  	s6 =	simm.s32 $0x0;
	s20 =	sshll.u32 s4, $0x1;
	s4 =	sadd.s32 s21, s2  }
0x9d: {  	[timem:s6], [sflag:s22] =	dma.local [hbm:s4], s20  }
0x9e: {  	_ =	swait.ge [sflag:s22], s20  }
0x9f: {  	s3 =	ssub.s32 $0x0, s20;
	[sflag:s22] =	ssyncset.done $0x0  }
0xa0: {  	[sflag:s22] =	ssyncadd.s32 s3;
	_ =	sdelay $0x1  }
0xa1: {  	s23 =	simm.s32 $0x1B8B  }
0xa2: {  	_ =	swait.ge [sflag:s23], $0x1  }
0xa3: {  	[sflag:s23] =	ssyncset.done $0x0  }
0xa4: {  	s25 =	simm.s32 $0x1B8E;
	s24 =	sld [smem:$0x3FFE];
	[sflag:s23] =	ssyncadd.s32 $0xFFFFFFFF  }
0xa5: {  	s26 =	simm.s32 $execute0_lowered;
	[smem:$0x3FD2] =	sst s25  }
0xa6: {  	s4 =	sshll.u32 s26, $0x1;
	_ =	strace $0x80000046;
	[dreg:$0x1] =	wrdreg $0xFFFFFFFF  }
0xa7: {  	s28 =	simm.s32 $_size_execute0_lowered;
	s2 =	sadd.s32 s2, s4;
	[dreg:$0x0] =	wrdreg $0x0  }
0xa8: {  	s4 =	sshll.u32 s28, $0x1;
	[dreg:$0x2] =	wrdreg s2  }
0xa9: {  	[dreg:$0x3] =	wrdreg s4  }
0xaa: {  	[dreg:$0x4] =	wrdreg $0xC0  }
0xab: {  	_ =	task [dreg:s6], $0x5FFFF  }
0xac: {  	[dreg:$0x1] =	wrdreg $0xFFFFFFFF  }
0xad: {  	[dreg:$0x0] =	wrdreg $0x60  }
0xae: {  	[dreg:$0x2] =	wrdreg s24  }
0xaf: {  	[dreg:$0x3] =	wrdreg $0x9  }
0xb0: {  	_ =	task.clear_ibuf [dreg:s6], $0x4FFFF;
	_ =	strace $0x90000046  }
0xb1: {  	s29 =	simm.s32 $0x9;
	_ =	strace $0x80000048  }
0xb2: {  	_ =	swait.ge [sflag:s29], $0x1  }
0xb3: {  	[sflag:s29] =	ssyncadd.s32 $0xFFFFFFFF  }
0xb4: {  	_ =	strace $0x90000048  }
0xb5: {  	_ =	sfence  }
0xb6: {  	s30 =	sld [smem:$0x0];
	_ =	sdelay $0x2  }
0xb7: {  	s31 =	sshll.u32 s1, $0xD;
	s1 =	sshrl.u32 s1, $0x2  }
0xb8: {  	s3 =	sand.u32 $0x4000, s31;
	s1 =	sadd.s32 s1, s30  }
0xb9: {  	s0 =	sor.u32 s3, s0;
	s1 =	sshll.u32 s1, $0x11  }
0xba: {  	s0 =	sor.u32 s1, s0  }
0xbb: {  	s0 =	sadd.s32 $0x8F2B, s0  }
0xbc: {  	[sflag:s0] =	ssyncadd.remote.s32 $0x1  }
0xbd: {  	_ =	sfence.sel $0xFFFF  }
0xbe: {  	[dreg:$0x0] =	wrdreg $0xFFFFFFFF;
	(pc) =	sbr.abs _section_cstart, $3  }
0xbf: {  	[dreg:$0x1] =	wrdreg $0xFFFFFFFF  }
0xc0: {  	_ =	task.clear_ibuf [dreg:s6], $0x2FFFF;
	_ =	strace $0x9FFFFFFF  }
0xc1: {  	(tm) =	ssettm $0x7FFFFFFF  }
tec
execute0_lowered:
.L_overlay_start_1:
0x0: {  	(tag) =	ssettag $0x1  }
0x1: {  	s1 =	srdreg.scid  }
0x2: {  	s0 =	stileid.u32;
	s10 =	sand.u32 $0x1, s1  }
0x3: {  	s8 =	rddreg [dreg:$0x0];
	s3 =	sshll.u32 s0, $0xB;
	s4 =	sshll.u32 s10, $0xA  }
0x4: {  	s2 =	simm.s32 $0x0;
	s1 =	rddreg [dreg:$0x1];
	s9 =	sor.u32 s4, s3  }
0x5: {  	[smem:$0x7FF] =	sst s2;
	s11 =	sadd.s32 $0x2000400, s8;
	s3 =	sshrl.u32 s9, $0x3  }
0x6: {  	_ =	strace $0x80000047;
	s4 =	sadd.s32 s11, s3;
	s3 =	simm.s32 $0x2  }
0x7: {  	[tilespmem:s2], [sflag:$0x2] =	stream.linear.gather [hbm4b:s4+s2], $0x200, $0x38;
	[tilespmem:$0x10200] =	vst v63  }
0x8: {  	_ =	swait.ge [sflag:s3], $0x200  }
0x9: {  	s6 =	simm.s32 $0x200;
	[sflag:s3] =	ssyncset.done $0x0  }
0xa: {  	s7 =	simm.s32 $0x1;
	s5 =	sadd.s32 $0x400, s8;
	[sflag:s3] =	ssyncadd.s32 $0xFFFFFE00  }
0xb: {  	[tilespmem:s6], [sflag:$0x1] =	stream.indirect.gather [hbm4b:s5+s6], $0x80, s2, s6, $0xb8;
	[tilespmem:$0x10200] =	vst v63  }
0xc: {  	_ =	swait.ge [sflag:s7], $0x10000  }
0xd: {  	s12 =	sadd.s32 $0x2001400, s8;
	s29 =	sshll.u32 s9, $0x4;
	[sflag:s7] =	ssyncset.done $0x0  }
0xe: {  	s8 =	sadd.s32 s12, s29;
	[sflag:s7] =	ssyncadd.s32 $0xFFFF0000  }
0xf: {  	[hbm4b:s8+s2] =	stream.linear.scatter [tilespmem:s6], [sflag:$0x2], $0x10000, $0x38;
	[tilespmem:$0x10200] =	vst v63  }
0x10: {  	s13 =	sor.u32 $0x200, s9;
	_ =	swait.ge [sflag:s3], $0x10000  }
0x11: {  	s9 =	sshrl.u32 s13, $0x3;
	[sflag:s3] =	ssyncset.done $0x0  }
0x12: {  	s10 =	ssub.s32 $0x2, s10;
	s9 =	sadd.s32 s11, s9;
	[sflag:s3] =	ssyncadd.s32 $0xFFFF0000  }
0x13: {  	[tilespmem:s2], [sflag:$0x2] =	stream.linear.gather [hbm4b:s9+s2], $0x200, $0x38;
	[tilespmem:$0x10200] =	vst v63  }
0x14: {  	s30 =	sshrl.u32 s10, $0x1;
	_ =	swait.ge [sflag:s3], $0x200  }
0x15: {  	s11 =	ssub.s32 s10, s30;
	[sflag:s3] =	ssyncset.done $0x0  }
0x16: {  	s11 =	smax.u32 s11, $0x1;
	[sflag:s3] =	ssyncadd.s32 $0xFFFFFE00  }
0x17: {  	[tilespmem:s6], [sflag:$0x1] =	stream.indirect.gather [hbm4b:s5+s6], $0x80, s2, s6, $0xb8;
	[tilespmem:$0x10200] =	vst v63  }
0x18: {  	p0 =	sne.s32 s11, $0x1;
	_ =	swait.ge [sflag:s7], $0x10000  }
.Ltmp0:
0x19: {  	s31 =	sshll.u32 s13, $0x4;
	[sflag:s7] =	ssyncset.done $0x0;
	(pc) =	sbr.rel @!p0 .LBB2_2-.Ltmp0, $4  }
0x1a: {  	s10 =	sadd.s32 s12, s31;
	[sflag:s7] =	ssyncadd.s32 $0xFFFF0000  }
0x1b: {  	[hbm4b:s10+s2] =	stream.linear.scatter [tilespmem:s6], [sflag:$0x2], $0x10000, $0x38;
	[tilespmem:$0x10200] =	vst v63  }
0x1c: {  	_ =	swait.ge [sflag:s3], $0x10000  }
0x1d: {  	s11 =	sadd.s32 $0xFFFFFFFF, s11;
	[sflag:s3] =	ssyncset.done $0x0  }
.LBB2_1:
0x1e: {  	p0 =	sne.s32 s11, $0x1;
	s11 =	sadd.s32 $0xFFFFFFFF, s11;
	[sflag:s3] =	ssyncadd.s32 $0xFFFF0000  }
0x1f: {  	[tilespmem:s2], [sflag:$0x2] =	stream.linear.gather [hbm4b:s4+s2], $0x200, $0x38;
	[tilespmem:$0x10200] =	vst v63  }
0x20: {  	_ =	swait.ge [sflag:s3], $0x200  }
0x21: {  	[sflag:s3] =	ssyncset.done $0x0  }
0x22: {  	[sflag:s3] =	ssyncadd.s32 $0xFFFFFE00  }
0x23: {  	[tilespmem:s6], [sflag:$0x1] =	stream.indirect.gather [hbm4b:s5+s6], $0x80, s2, s6, $0xb8;
	[tilespmem:$0x10200] =	vst v63  }
0x24: {  	_ =	swait.ge [sflag:s7], $0x10000  }
0x25: {  	[sflag:s7] =	ssyncset.done $0x0  }
0x26: {  	[sflag:s7] =	ssyncadd.s32 $0xFFFF0000  }
0x27: {  	[hbm4b:s8+s2] =	stream.linear.scatter [tilespmem:s6], [sflag:$0x2], $0x10000, $0x38;
	[tilespmem:$0x10200] =	vst v63  }
0x28: {  	_ =	swait.ge [sflag:s3], $0x10000  }
0x29: {  	[sflag:s3] =	ssyncset.done $0x0  }
0x2a: {  	[sflag:s3] =	ssyncadd.s32 $0xFFFF0000  }
0x2b: {  	[tilespmem:s2], [sflag:$0x2] =	stream.linear.gather [hbm4b:s9+s2], $0x200, $0x38;
	[tilespmem:$0x10200] =	vst v63  }
0x2c: {  	_ =	swait.ge [sflag:s3], $0x200  }
0x2d: {  	[sflag:s3] =	ssyncset.done $0x0  }
0x2e: {  	[sflag:s3] =	ssyncadd.s32 $0xFFFFFE00  }
0x2f: {  	[tilespmem:s6], [sflag:$0x1] =	stream.indirect.gather [hbm4b:s5+s6], $0x80, s2, s6, $0xb8;
	[tilespmem:$0x10200] =	vst v63  }
0x30: {  	_ =	swait.ge [sflag:s7], $0x10000  }
.Ltmp1:
0x31: {  	[sflag:s7] =	ssyncset.done $0x0;
	(pc) =	sbr.rel @p0 .LBB2_1-.Ltmp1, $4  }
0x32: {  	[sflag:s7] =	ssyncadd.s32 $0xFFFF0000  }
0x33: {  	[hbm4b:s10+s2] =	stream.linear.scatter [tilespmem:s6], [sflag:$0x2], $0x10000, $0x38;
	[tilespmem:$0x10200] =	vst v63  }
0x34: {  	_ =	swait.ge [sflag:s3], $0x10000  }
0x35: {  	[sflag:s3] =	ssyncset.done $0x0  }
.LBB2_2:
0x36: {  	[sflag:s3] =	ssyncadd.s32 $0xFFFF0000  }
0x37: {  	_ =	sfence.sel $0x180000  }
0x38: {  	[bflag:$0x0] =	sbarrier.arrive $0xFFFF  }
0x39: {  	p0 =	sne.s32 s0, $0x0;
	_ =	strace $0x90000047  }
0x3a: {  	s0 =	sadd.s32 @!p0 $0x100000, s1;
	[bflag:$0x2] =	sbarrier.arrive $0xFFFF  }
0x3b: {  	[sflag:s0] =	ssyncadd.tile.s32 @!p0 $0x1;
	_ =	shalt  }
.Lfunc_end2:
_tile_overlayer_lowered:
.L_overlay_start_2:
0x3c: {  	(tag) =	ssettag $0x2  }
0x3d: {  	s0 =	rddreg [dreg:$0x0];
	s2 =	stileid.u32  }
0x3e: {  	s1 =	rddreg [dreg:$0x1];
	p0 =	sne.s32 s2, $0x0  }
0x3f: {  	s3 =	rddreg [dreg:$0x2];
	[bflag:$0x3] =	sbarrier.arrive $0xFFFF;
	s2 =	simm.s32 @!p0 $0x1C02  }
0x40: {  	[timem:s3], [sflag:s2] =	dma.local @!p0 [hbm:s0], s1  }
0x41: {  	s0 =	simm.s32 @!p0 $0x2  }
0x42: {  	_ =	swait.ge @!p0 [sflag:s0], s1  }
0x43: {  	s1 =	ssub.s32 @!p0 $0x0, s1;
	[sflag:s0] =	ssyncset.done @!p0 $0x0  }
0x44: {  	[sflag:s0] =	ssyncadd.s32 @!p0 s1  }
0x45: {  	[bflag:$0x3] =	sbarrier.arrive $0xFFFF  }
0x46: {  	_ =	shalt  }

</sc_bundles>
